<compile_context>
chip_gen: v7x
topology: tpu7x:2x2x1
jax: 0.10.2.dev20260603
libtpu: 0.0.44.dev20260713+nightly
codegen_flags: <defaults>
</compile_context>

<pallas_src>
import dataclasses
import functools

import jax
import jax.numpy as jnp
from jax import lax
from jax.experimental import pallas as pl
from jax.experimental.pallas import tpu as pltpu
from jax.experimental.pallas import tpu_sc as plsc

_NUM_CORES = 2
_NUM_SUBCORES = 16
_LANES = 16
_NW = _NUM_CORES * _NUM_SUBCORES

_W_BI = 0.3
_W_TRI = 0.15
_W_FOUR = 0.1

_K = 2
_UNROLL = 8


def _bucket_fold(x, buckets):
    if buckets & (buckets - 1) == 0:
        return x & (buckets - 1)
    return x % buckets


def kernel(input_ids, bigram_table, trigram_table, fourgram_table):
    b, t = input_ids.shape
    n = b * t
    v = bigram_table.shape[1]
    tri_buckets = trigram_table.shape[0]
    four_buckets = fourgram_table.shape[0]
    assert n % (_NW * _K * 2) == 0 and v % (_LANES * _UNROLL) == 0
    b_per_w = n // _NW
    n_chunks = b_per_w // _K

    flat = input_ids.reshape(-1).astype(jnp.int32)
    zero1 = jnp.zeros((1,), jnp.int32)
    prev2 = jnp.concatenate([zero1, flat[:-1]])
    prev3 = jnp.concatenate([zero1, zero1, flat[:-2]])

    mesh = plsc.VectorSubcoreMesh(core_axis_name="c", subcore_axis_name="s")

    compiler_params = pltpu.CompilerParams()
    if "needs_layout_passes" in pltpu.CompilerParams.__dataclass_fields__:
        compiler_params = dataclasses.replace(
            compiler_params, needs_layout_passes=False)

    @functools.partial(
        pl.kernel,
        out_type=jax.ShapeDtypeStruct((n, v), jnp.float32),
        mesh=mesh,
        compiler_params=compiler_params,
        scratch_types=[
            pltpu.VMEM((b_per_w,), jnp.int32),
            pltpu.VMEM((b_per_w,), jnp.int32),
            pltpu.VMEM((b_per_w,), jnp.int32),
            pltpu.VMEM((n_chunks * 8,), jnp.int32),
            pltpu.VMEM((n_chunks * 8,), jnp.int32),
            pltpu.VMEM((n_chunks * 8,), jnp.int32),
            pltpu.VMEM((2, _K, v), jnp.float32),
            pltpu.VMEM((2, _K, v), jnp.float32),
            pltpu.VMEM((2, _K, v), jnp.float32),
            pltpu.SemaphoreType.DMA,
            pltpu.SemaphoreType.DMA,
            pltpu.SemaphoreType.DMA,
            pltpu.SemaphoreType.DMA,
        ],
    )
    def sc_kernel(p1_hbm, p2_hbm, p3_hbm, bi_hbm, tri_hbm, four_hbm, out_hbm,
                  in1, in2, in3, idx1, idx3, idx4, buf_b, buf_t, buf_f,
                  gsem0, gsem1, osem0, osem1):
        wid = lax.axis_index("s") * _NUM_CORES + lax.axis_index("c")
        base = wid * b_per_w
        gsems = (gsem0, gsem1)
        osems = (osem0, osem1)

        pltpu.sync_copy(p1_hbm.at[pl.ds(base, b_per_w)], in1)
        pltpu.sync_copy(p2_hbm.at[pl.ds(base, b_per_w)], in2)
        pltpu.sync_copy(p3_hbm.at[pl.ds(base, b_per_w)], in3)

        lane = lax.iota(jnp.int32, _LANES)
        slot = (lane // _K) * 8 + lax.rem(lane, _K)

        @pl.loop(0, b_per_w, step=_LANES)
        def _(i):
            s = pl.ds(i, _LANES)
            p1 = in1[s]
            p2 = in2[s]
            p3 = in3[s]
            partial_hash = 36313 * p1 + 27191 * p2
            h3 = _bucket_fold(partial_hash, tri_buckets)
            h4 = _bucket_fold(partial_hash + 51497 * p3, four_buckets)
            pos = slot + (i // _K) * 8
            plsc.store_scatter(idx1, [pos], p1)
            plsc.store_scatter(idx3, [pos], h3)
            plsc.store_scatter(idx4, [pos], h4)

        def gather_copies(g, si):
            go = g * 8
            return (
                pltpu.make_async_copy(
                    bi_hbm.at[idx1.at[pl.ds(go, _K)]], buf_b.at[si], gsems[si]),
                pltpu.make_async_copy(
                    tri_hbm.at[idx3.at[pl.ds(go, _K)]], buf_t.at[si], gsems[si]),
                pltpu.make_async_copy(
                    four_hbm.at[idx4.at[pl.ds(go, _K)]], buf_f.at[si], gsems[si]),
            )

        def out_copy(g, si):
            return pltpu.make_async_copy(
                buf_b.at[si], out_hbm.at[pl.ds(base + g * _K, _K)], osems[si])

        def issue_gathers(g, si):
            for c in gather_copies(g, si):
                c.start()

        def wait_gathers(g, si):
            for c in gather_copies(g, si):
                c.wait()

        def compute(si):
            for r in range(_K):
                @plsc.parallel_loop(0, v, step=_LANES, unroll=_UNROLL)
                def _(c):
                    cs = pl.ds(c, _LANES)
                    buf_b[si, r, cs] = (_W_BI * buf_b[si, r, cs]
                                        + _W_TRI * buf_t[si, r, cs]
                                        + _W_FOUR * buf_f[si, r, cs])

        issue_gathers(0, 0)

        @pl.loop(0, n_chunks, step=2)
        def _(g):
            issue_gathers(g + 1, 1)
            wait_gathers(g, 0)

            @pl.when(g >= 2)
            def _():
                out_copy(g - 2, 0).wait()

            compute(0)
            out_copy(g, 0).start()

            @pl.when(g + 2 < n_chunks)
            def _():
                issue_gathers(g + 2, 0)

            wait_gathers(g + 1, 1)

            @pl.when(g >= 2)
            def _():
                out_copy(g - 1, 1).wait()

            compute(1)
            out_copy(g + 1, 1).start()

        out_copy(n_chunks - 2, 0).wait()
        out_copy(n_chunks - 1, 1).wait()

    return sc_kernel(flat, prev2, prev3, bigram_table, trigram_table,
                     fourgram_table)

# --- scband reference (transcript-rebuilt; emitter-appended) ---
"""Pipeline reference for scband-ngram-logit-bias-72748156060241 (READ-ONLY COPY).

The authoritative reference and input builder live on the scoring server;
editing this copy changes nothing except your own understanding.
"""

import jax, jax.numpy as jnp
import numpy as np

V = 8192
TRI_BUCKETS = 16384
FOUR_BUCKETS = 16384
B, T = 2, 2048


def setup_inputs(seed: int = 0) -> dict:
    key = jax.random.key(seed)
    k1, k2, k3, k4 = jax.random.split(key, 4)
    input_ids = jax.random.randint(k1, (B, T), 0, V, dtype=jnp.int32)
    bigram_table = jax.random.normal(k2, (V, V), dtype=jnp.float32) * 0.1
    trigram_table = jax.random.normal(k3, (TRI_BUCKETS, V), dtype=jnp.float32) * 0.1
    fourgram_table = jax.random.normal(k4, (FOUR_BUCKETS, V), dtype=jnp.float32) * 0.1
    return {
        "input_ids": input_ids,
        "bigram_table": bigram_table,
        "trigram_table": trigram_table,
        "fourgram_table": fourgram_table,
    }


def reference(input_ids, bigram_table, trigram_table, fourgram_table):
    bigram_weight = 0.3
    trigram_weight = 0.15
    fourgram_weight = 0.1
    b, t = input_ids.shape
    flat = input_ids.reshape(-1)
    prev1 = flat.astype(jnp.int32)
    # prev2: shifted right by 1, zero-padded at position 0
    prev2 = jnp.concatenate([jnp.zeros((1,), dtype=jnp.int32), prev1[:-1]])
    # prev3: shifted right by 2, zero-padded at positions 0,1
    prev3 = jnp.concatenate([jnp.zeros((2,), dtype=jnp.int32), prev1[:-2]])

    bias = jnp.zeros((b * t, bigram_table.shape[1]), dtype=jnp.float32)

    # bigram: direct lookup by prev1
    bigram_bias = jnp.take(bigram_table, flat, axis=0)
    bias = bias + bigram_weight * bigram_bias

    # trigram: hash(prev1, prev2)
    tri_buckets = trigram_table.shape[0]
    hashed_tri = (36313 * prev1 + 27191 * prev2) % tri_buckets
    trigram_bias = jnp.take(trigram_table, hashed_tri, axis=0)
    bias = bias + trigram_weight * trigram_bias

    # 4-gram: hash(prev1, prev2, prev3)
    four_buckets = fourgram_table.shape[0]
    hashed_4g = (36313 * prev1 + 27191 * prev2 + 51497 * prev3) % four_buckets
    fourgram_bias = jnp.take(fourgram_table, hashed_4g, axis=0)
    bias = bias + fourgram_weight * fourgram_bias

    return bias

if __name__ == "__main__":
    import jax
    _d = setup_inputs()
    print(jax.jit(kernel)(*tuple(_d.values())))

</pallas_src>

<mosaic_0001>
#map = affine_map<(d0, d1) -> (0)>
#map1 = affine_map<(d0, d1) -> (0, 0)>
module attributes {stable_mosaic.version = 14 : i64} {
  func.func @sc_kernel(%arg0: i32, %arg1: i32, %arg2: memref<4096xi32, #tpu.memory_space<hbm>>, %arg3: memref<4096xi32, #tpu.memory_space<hbm>>, %arg4: memref<4096xi32, #tpu.memory_space<hbm>>, %arg5: memref<8192x8192xf32, #tpu.memory_space<hbm>>, %arg6: memref<16384x8192xf32, #tpu.memory_space<hbm>>, %arg7: memref<16384x8192xf32, #tpu.memory_space<hbm>>, %arg8: memref<4096x8192xf32, #tpu.memory_space<hbm>>, %arg9: memref<128xi32, #tpu.memory_space<vmem>>, %arg10: memref<128xi32, #tpu.memory_space<vmem>>, %arg11: memref<128xi32, #tpu.memory_space<vmem>>, %arg12: memref<512xi32, #tpu.memory_space<vmem>>, %arg13: memref<512xi32, #tpu.memory_space<vmem>>, %arg14: memref<512xi32, #tpu.memory_space<vmem>>, %arg15: memref<2x2x8192xf32, #tpu.memory_space<vmem>>, %arg16: memref<2x2x8192xf32, #tpu.memory_space<vmem>>, %arg17: memref<2x2x8192xf32, #tpu.memory_space<vmem>>, %arg18: memref<!tpu.dma_semaphore, #tpu.memory_space<semaphore_mem>>, %arg19: memref<!tpu.dma_semaphore, #tpu.memory_space<semaphore_mem>>, %arg20: memref<!tpu.dma_semaphore, #tpu.memory_space<semaphore_mem>>, %arg21: memref<!tpu.dma_semaphore, #tpu.memory_space<semaphore_mem>>) attributes {dimension_semantics = [#tpu.dimension_semantics<core_parallel>, #tpu.dimension_semantics<subcore_parallel>], iteration_bounds = array<i64: 2, 16>, scalar_prefetch = 0 : i64, scratch_operands = 13 : i64, tpu.core_type = #tpu.core_type<sc_vector_subcore>, window_params = [{transform_indices = #map}, {transform_indices = #map}, {transform_indices = #map}, {transform_indices = #map1}, {transform_indices = #map1}, {transform_indices = #map1}, {transform_indices = #map1}]} {
    %mul3A = arith.constant 2 : i32
    %mul3A_0 = arith.muli %arg1, %mul3A : i32
    %add3A = arith.addi %mul3A_0, %arg0 : i32
    %mul3A_1 = arith.constant 128 : i32
    %mul3A_2 = arith.muli %add3A, %mul3A_1 : i32
    "tpu.region"() ({
      %run_scoped3A = tpu.sem_alloc : memref<!tpu.dma_semaphore, #tpu.memory_space<semaphore_mem>>
      %dma_start3A_100 = tpu.memref_slice %arg2[%mul3A_2] : memref<4096xi32, #tpu.memory_space<hbm>> -> memref<128xi32, #tpu.memory_space<hbm>>
      %dma_start3A_101 = tpu.memref_slice %arg2[%mul3A_2] : memref<4096xi32, #tpu.memory_space<hbm>> -> memref<128xi32, #tpu.memory_space<hbm>>
      tpu.enqueue_dma source(%dma_start3A_101 : memref<128xi32, #tpu.memory_space<hbm>>) target(%arg9 : memref<128xi32, #tpu.memory_space<vmem>>) target_semaphore(%run_scoped3A : memref<!tpu.dma_semaphore, #tpu.memory_space<semaphore_mem>>)
      %dma_wait3A_102 = tpu.memref_slice %arg2[%mul3A_2] : memref<4096xi32, #tpu.memory_space<hbm>> -> memref<128xi32, #tpu.memory_space<hbm>>
      %dma_wait3A_103 = tpu.memref_slice %arg2[%mul3A_2] : memref<4096xi32, #tpu.memory_space<hbm>> -> memref<128xi32, #tpu.memory_space<hbm>>
      tpu.wait_dma2 semaphore(%run_scoped3A : memref<!tpu.dma_semaphore, #tpu.memory_space<semaphore_mem>>) src(%dma_wait3A_103 : memref<128xi32, #tpu.memory_space<hbm>>) dst(%arg9 : memref<128xi32, #tpu.memory_space<vmem>>)
      tpu.yield
    }) : () -> ()
    "tpu.region"() ({
      %run_scoped3A = tpu.sem_alloc : memref<!tpu.dma_semaphore, #tpu.memory_space<semaphore_mem>>
      %dma_start3A_100 = tpu.memref_slice %arg3[%mul3A_2] : memref<4096xi32, #tpu.memory_space<hbm>> -> memref<128xi32, #tpu.memory_space<hbm>>
      %dma_start3A_101 = tpu.memref_slice %arg3[%mul3A_2] : memref<4096xi32, #tpu.memory_space<hbm>> -> memref<128xi32, #tpu.memory_space<hbm>>
      tpu.enqueue_dma source(%dma_start3A_101 : memref<128xi32, #tpu.memory_space<hbm>>) target(%arg10 : memref<128xi32, #tpu.memory_space<vmem>>) target_semaphore(%run_scoped3A : memref<!tpu.dma_semaphore, #tpu.memory_space<semaphore_mem>>)
      %dma_wait3A_102 = tpu.memref_slice %arg3[%mul3A_2] : memref<4096xi32, #tpu.memory_space<hbm>> -> memref<128xi32, #tpu.memory_space<hbm>>
      %dma_wait3A_103 = tpu.memref_slice %arg3[%mul3A_2] : memref<4096xi32, #tpu.memory_space<hbm>> -> memref<128xi32, #tpu.memory_space<hbm>>
      tpu.wait_dma2 semaphore(%run_scoped3A : memref<!tpu.dma_semaphore, #tpu.memory_space<semaphore_mem>>) src(%dma_wait3A_103 : memref<128xi32, #tpu.memory_space<hbm>>) dst(%arg10 : memref<128xi32, #tpu.memory_space<vmem>>)
      tpu.yield
    }) : () -> ()
    "tpu.region"() ({
      %run_scoped3A = tpu.sem_alloc : memref<!tpu.dma_semaphore, #tpu.memory_space<semaphore_mem>>
      %dma_start3A_100 = tpu.memref_slice %arg4[%mul3A_2] : memref<4096xi32, #tpu.memory_space<hbm>> -> memref<128xi32, #tpu.memory_space<hbm>>
      %dma_start3A_101 = tpu.memref_slice %arg4[%mul3A_2] : memref<4096xi32, #tpu.memory_space<hbm>> -> memref<128xi32, #tpu.memory_space<hbm>>
      tpu.enqueue_dma source(%dma_start3A_101 : memref<128xi32, #tpu.memory_space<hbm>>) target(%arg11 : memref<128xi32, #tpu.memory_space<vmem>>) target_semaphore(%run_scoped3A : memref<!tpu.dma_semaphore, #tpu.memory_space<semaphore_mem>>)
      %dma_wait3A_102 = tpu.memref_slice %arg4[%mul3A_2] : memref<4096xi32, #tpu.memory_space<hbm>> -> memref<128xi32, #tpu.memory_space<hbm>>
      %dma_wait3A_103 = tpu.memref_slice %arg4[%mul3A_2] : memref<4096xi32, #tpu.memory_space<hbm>> -> memref<128xi32, #tpu.memory_space<hbm>>
      tpu.wait_dma2 semaphore(%run_scoped3A : memref<!tpu.dma_semaphore, #tpu.memory_space<semaphore_mem>>) src(%dma_wait3A_103 : memref<128xi32, #tpu.memory_space<hbm>>) dst(%arg11 : memref<128xi32, #tpu.memory_space<vmem>>)
      tpu.yield
    }) : () -> ()
    %iota3A = tpu.iota {dimensions = array<i32: 0>} : vector<16xi32>
    %jit3A = arith.constant 2 : i32
    %div3A = vector.broadcast %jit3A : i32 to vector<16xi32>
    %div3A_3 = arith.divsi %iota3A, %div3A : vector<16xi32>
    %sign3A = arith.constant 0 : i32
    %sign3A_4 = vector.broadcast %sign3A : i32 to vector<16xi32>
    %sign3A_5 = arith.cmpi sgt, %iota3A, %sign3A_4 : vector<16xi32>
    %sign3A_6 = arith.extui %sign3A_5 : vector<16xi1> to vector<16xi32>
    %sign3A_7 = arith.constant 0 : i32
    %sign3A_8 = vector.broadcast %sign3A_7 : i32 to vector<16xi32>
    %sign3A_9 = arith.cmpi slt, %iota3A, %sign3A_8 : vector<16xi32>
    %sign3A_10 = arith.extui %sign3A_9 : vector<16xi1> to vector<16xi32>
    %sign3A_11 = arith.subi %sign3A_6, %sign3A_10 : vector<16xi32>
    %sign3A_12 = arith.constant 0 : i32
    %sign3A_13 = arith.cmpi sgt, %jit3A, %sign3A_12 : i32
    %sign3A_14 = arith.extui %sign3A_13 : i1 to i32
    %sign3A_15 = arith.constant 0 : i32
    %sign3A_16 = arith.cmpi slt, %jit3A, %sign3A_15 : i32
    %sign3A_17 = arith.extui %sign3A_16 : i1 to i32
    %sign3A_18 = arith.subi %sign3A_14, %sign3A_17 : i32
    %ne3A = vector.broadcast %sign3A_18 : i32 to vector<16xi32>
    %ne3A_19 = arith.cmpi ne, %sign3A_11, %ne3A : vector<16xi32>
    %rem3A = vector.broadcast %jit3A : i32 to vector<16xi32>
    %rem3A_20 = arith.remsi %iota3A, %rem3A : vector<16xi32>
    %ne3A_21 = arith.constant 0 : i32
    %ne3A_22 = vector.broadcast %ne3A_21 : i32 to vector<16xi32>
    %ne3A_23 = arith.cmpi ne, %rem3A_20, %ne3A_22 : vector<16xi32>
    %and3A = arith.andi %ne3A_19, %ne3A_23 : vector<16xi1>
    %sub3A = arith.constant 1 : i32
    %sub3A_24 = vector.broadcast %sub3A : i32 to vector<16xi32>
    %sub3A_25 = arith.subi %div3A_3, %sub3A_24 : vector<16xi32>
    %select_n3A = arith.select %and3A, %sub3A_25, %div3A_3 : vector<16xi1>, vector<16xi32>
    %mul3A_26 = arith.constant 8 : i32
    %mul3A_27 = vector.broadcast %mul3A_26 : i32 to vector<16xi32>
    %mul3A_28 = arith.muli %select_n3A, %mul3A_27 : vector<16xi32>
    %rem3A_29 = arith.constant 2 : i32
    %rem3A_30 = vector.broadcast %rem3A_29 : i32 to vector<16xi32>
    %rem3A_31 = arith.remsi %iota3A, %rem3A_30 : vector<16xi32>
    %add3A_32 = arith.addi %mul3A_28, %rem3A_31 : vector<16xi32>
    %scan3A = arith.constant 0 : i32
    %scan3A_33 = arith.constant 8 : i32
    %scan3A_34 = arith.addi %scan3A, %scan3A_33 : i32
    %scan3A_35 = arith.constant 1 : i32
    scf.for %scan3A_100 = %scan3A to %scan3A_34 step %scan3A_35  : i32 {
      %mul3A_101 = arith.constant 16 : i32
      %mul3A_102 = arith.muli %scan3A_100, %mul3A_101 : i32
      %add3A_103 = arith.constant 0 : i32
      %add3A_104 = arith.addi %add3A_103, %mul3A_102 : i32
      %get3A = arith.index_cast %add3A_104 : i32 to index
      %get3A_105 = tpu.vector_load %arg9[%get3A] {strides = array<i32>} : memref<128xi32, #tpu.memory_space<vmem>>, vector<16xi32>,
      %get3A_106 = arith.index_cast %add3A_104 : i32 to index
      %get3A_107 = tpu.vector_load %arg10[%get3A_106] {strides = array<i32>} : memref<128xi32, #tpu.memory_space<vmem>>, vector<16xi32>,
      %get3A_108 = arith.index_cast %add3A_104 : i32 to index
      %get3A_109 = tpu.vector_load %arg11[%get3A_108] {strides = array<i32>} : memref<128xi32, #tpu.memory_space<vmem>>, vector<16xi32>,
      %mul3A_110 = arith.constant 36313 : i32
      %mul3A_111 = vector.broadcast %mul3A_110 : i32 to vector<16xi32>
      %mul3A_112 = arith.muli %mul3A_111, %get3A_105 : vector<16xi32>
      %mul3A_113 = arith.constant 27191 : i32
      %mul3A_114 = vector.broadcast %mul3A_113 : i32 to vector<16xi32>
      %mul3A_115 = arith.muli %mul3A_114, %get3A_107 : vector<16xi32>
      %add3A_116 = arith.addi %mul3A_112, %mul3A_115 : vector<16xi32>
      %and3A_117 = arith.constant 16383 : i32
      %and3A_118 = vector.broadcast %and3A_117 : i32 to vector<16xi32>
      %and3A_119 = arith.andi %add3A_116, %and3A_118 : vector<16xi32>
      %mul3A_120 = arith.constant 51497 : i32
      %mul3A_121 = vector.broadcast %mul3A_120 : i32 to vector<16xi32>
      %mul3A_122 = arith.muli %mul3A_121, %get3A_109 : vector<16xi32>
      %add3A_123 = arith.addi %add3A_116, %mul3A_122 : vector<16xi32>
      %and3A_124 = arith.constant 16383 : i32
      %and3A_125 = vector.broadcast %and3A_124 : i32 to vector<16xi32>
      %and3A_126 = arith.andi %add3A_123, %and3A_125 : vector<16xi32>
      %jit3A_127 = arith.constant 2 : i32
      %div3A_128 = arith.divsi %add3A_104, %jit3A_127 : i32
      %sign3A_129 = arith.constant 0 : i32
      %sign3A_130 = arith.cmpi sgt, %add3A_104, %sign3A_129 : i32
      %sign3A_131 = arith.extui %sign3A_130 : i1 to i32
      %sign3A_132 = arith.constant 0 : i32
      %sign3A_133 = arith.cmpi slt, %add3A_104, %sign3A_132 : i32
      %sign3A_134 = arith.extui %sign3A_133 : i1 to i32
      %sign3A_135 = arith.subi %sign3A_131, %sign3A_134 : i32
      %sign3A_136 = arith.constant 0 : i32
      %sign3A_137 = arith.cmpi sgt, %jit3A_127, %sign3A_136 : i32
      %sign3A_138 = arith.extui %sign3A_137 : i1 to i32
      %sign3A_139 = arith.constant 0 : i32
      %sign3A_140 = arith.cmpi slt, %jit3A_127, %sign3A_139 : i32
      %sign3A_141 = arith.extui %sign3A_140 : i1 to i32
      %sign3A_142 = arith.subi %sign3A_138, %sign3A_141 : i32
      %ne3A_143 = arith.cmpi ne, %sign3A_135, %sign3A_142 : i32
      %rem3A_144 = arith.remsi %add3A_104, %jit3A_127 : i32
      %ne3A_145 = arith.constant 0 : i32
      %ne3A_146 = arith.cmpi ne, %rem3A_144, %ne3A_145 : i32
      %and3A_147 = arith.andi %ne3A_143, %ne3A_146 : i1
      %sub3A_148 = arith.constant 1 : i32
      %sub3A_149 = arith.subi %div3A_128, %sub3A_148 : i32
      %select_n3A_150 = arith.select %and3A_147, %sub3A_149, %div3A_128 : i32
      %mul3A_151 = arith.constant 8 : i32
      %mul3A_152 = arith.muli %select_n3A_150, %mul3A_151 : i32
      %add3A_153 = vector.broadcast %mul3A_152 : i32 to vector<16xi32>
      %add3A_154 = arith.addi %add3A_32, %add3A_153 : vector<16xi32>
      tpu.vector_store_idx %arg12[%add3A_154], %get3A_105 : memref<512xi32, #tpu.memory_space<vmem>>[vector<16xi32>], vector<16xi32>,
      tpu.vector_store_idx %arg13[%add3A_154], %and3A_119 : memref<512xi32, #tpu.memory_space<vmem>>[vector<16xi32>], vector<16xi32>,
      tpu.vector_store_idx %arg14[%add3A_154], %and3A_126 : memref<512xi32, #tpu.memory_space<vmem>>[vector<16xi32>], vector<16xi32>,
    }
    %scan3A_36 = arith.constant 8 : i32
    %dma_start3A = arith.constant 0 : i32
    %dma_start3A_37 = arith.constant 0 : i32
    %dma_start3A_38 = arith.constant 0 : i32
    %dma_start3A_39 = tpu.memref_slice %arg15[%dma_start3A, %dma_start3A_37, %dma_start3A_38] : memref<2x2x8192xf32, #tpu.memory_space<vmem>> -> memref<1x2x8192xf32, #tpu.memory_space<vmem>>
    %dma_start3A_40 = tpu.memref_squeeze %dma_start3A_39 : memref<1x2x8192xf32, #tpu.memory_space<vmem>> -> memref<2x8192xf32, #tpu.memory_space<vmem>>
    %dma_start3A_41 = arith.constant 0 : i32
    %dma_start3A_42 = tpu.memref_slice %arg12[%dma_start3A_41] : memref<512xi32, #tpu.memory_space<vmem>> -> memref<2xi32, #tpu.memory_space<vmem>>
    %dma_start3A_43 = arith.constant 0 : i32
    %dma_start3A_44 = arith.constant 0 : i32
    %dma_start3A_45 = tpu.memref_slice %arg5[%dma_start3A_43, %dma_start3A_44] : memref<8192x8192xf32, #tpu.memory_space<hbm>> -> memref<8192x8192xf32, #tpu.memory_space<hbm>>
    tpu.enqueue_indirect_dma source(%dma_start3A_45 : memref<8192x8192xf32, #tpu.memory_space<hbm>>) target(%dma_start3A_40 : memref<2x8192xf32, #tpu.memory_space<vmem>>) offsets(%dma_start3A_42 : memref<2xi32, #tpu.memory_space<vmem>>) semaphore(%arg18 : memref<!tpu.dma_semaphore, #tpu.memory_space<semaphore_mem>>)
    %dma_start3A_46 = arith.constant 0 : i32
    %dma_start3A_47 = arith.constant 0 : i32
    %dma_start3A_48 = arith.constant 0 : i32
    %dma_start3A_49 = tpu.memref_slice %arg16[%dma_start3A_46, %dma_start3A_47, %dma_start3A_48] : memref<2x2x8192xf32, #tpu.memory_space<vmem>> -> memref<1x2x8192xf32, #tpu.memory_space<vmem>>
    %dma_start3A_50 = tpu.memref_squeeze %dma_start3A_49 : memref<1x2x8192xf32, #tpu.memory_space<vmem>> -> memref<2x8192xf32, #tpu.memory_space<vmem>>
    %dma_start3A_51 = arith.constant 0 : i32
    %dma_start3A_52 = tpu.memref_slice %arg13[%dma_start3A_51] : memref<512xi32, #tpu.memory_space<vmem>> -> memref<2xi32, #tpu.memory_space<vmem>>
    %dma_start3A_53 = arith.constant 0 : i32
    %dma_start3A_54 = arith.constant 0 : i32
    %dma_start3A_55 = tpu.memref_slice %arg6[%dma_start3A_53, %dma_start3A_54] : memref<16384x8192xf32, #tpu.memory_space<hbm>> -> memref<16384x8192xf32, #tpu.memory_space<hbm>>
    tpu.enqueue_indirect_dma source(%dma_start3A_55 : memref<16384x8192xf32, #tpu.memory_space<hbm>>) target(%dma_start3A_50 : memref<2x8192xf32, #tpu.memory_space<vmem>>) offsets(%dma_start3A_52 : memref<2xi32, #tpu.memory_space<vmem>>) semaphore(%arg18 : memref<!tpu.dma_semaphore, #tpu.memory_space<semaphore_mem>>)
    %dma_start3A_56 = arith.constant 0 : i32
    %dma_start3A_57 = arith.constant 0 : i32
    %dma_start3A_58 = arith.constant 0 : i32
    %dma_start3A_59 = tpu.memref_slice %arg17[%dma_start3A_56, %dma_start3A_57, %dma_start3A_58] : memref<2x2x8192xf32, #tpu.memory_space<vmem>> -> memref<1x2x8192xf32, #tpu.memory_space<vmem>>
    %dma_start3A_60 = tpu.memref_squeeze %dma_start3A_59 : memref<1x2x8192xf32, #tpu.memory_space<vmem>> -> memref<2x8192xf32, #tpu.memory_space<vmem>>
    %dma_start3A_61 = arith.constant 0 : i32
    %dma_start3A_62 = tpu.memref_slice %arg14[%dma_start3A_61] : memref<512xi32, #tpu.memory_space<vmem>> -> memref<2xi32, #tpu.memory_space<vmem>>
    %dma_start3A_63 = arith.constant 0 : i32
    %dma_start3A_64 = arith.constant 0 : i32
    %dma_start3A_65 = tpu.memref_slice %arg7[%dma_start3A_63, %dma_start3A_64] : memref<16384x8192xf32, #tpu.memory_space<hbm>> -> memref<16384x8192xf32, #tpu.memory_space<hbm>>
    tpu.enqueue_indirect_dma source(%dma_start3A_65 : memref<16384x8192xf32, #tpu.memory_space<hbm>>) target(%dma_start3A_60 : memref<2x8192xf32, #tpu.memory_space<vmem>>) offsets(%dma_start3A_62 : memref<2xi32, #tpu.memory_space<vmem>>) semaphore(%arg18 : memref<!tpu.dma_semaphore, #tpu.memory_space<semaphore_mem>>)
    %scan3A_66 = arith.constant 0 : i32
    %scan3A_67 = arith.constant 32 : i32
    %scan3A_68 = arith.addi %scan3A_66, %scan3A_67 : i32
    %scan3A_69 = arith.constant 1 : i32
    scf.for %scan3A_100 = %scan3A_66 to %scan3A_68 step %scan3A_69  : i32 {
      %mul3A_101 = arith.constant 2 : i32
      %mul3A_102 = arith.muli %scan3A_100, %mul3A_101 : i32
      %add3A_103 = arith.constant 0 : i32
      %add3A_104 = arith.addi %add3A_103, %mul3A_102 : i32
      %add3A_105 = arith.constant 1 : i32
      %add3A_106 = arith.addi %add3A_104, %add3A_105 : i32
      %mul3A_107 = arith.constant 8 : i32
      %mul3A_108 = arith.muli %add3A_106, %mul3A_107 : i32
      %dma_start3A_109 = arith.constant 1 : i32
      %dma_start3A_110 = arith.constant 0 : i32
      %dma_start3A_111 = arith.constant 0 : i32
      %dma_start3A_112 = tpu.memref_slice %arg15[%dma_start3A_109, %dma_start3A_110, %dma_start3A_111] : memref<2x2x8192xf32, #tpu.memory_space<vmem>> -> memref<1x2x8192xf32, #tpu.memory_space<vmem>>
      %dma_start3A_113 = tpu.memref_squeeze %dma_start3A_112 : memref<1x2x8192xf32, #tpu.memory_space<vmem>> -> memref<2x8192xf32, #tpu.memory_space<vmem>>
      %dma_start3A_114 = tpu.memref_slice %arg12[%mul3A_108] : memref<512xi32, #tpu.memory_space<vmem>> -> memref<2xi32, #tpu.memory_space<vmem>>
      %dma_start3A_115 = arith.constant 0 : i32
      %dma_start3A_116 = arith.constant 0 : i32
      %dma_start3A_117 = tpu.memref_slice %arg5[%dma_start3A_115, %dma_start3A_116] : memref<8192x8192xf32, #tpu.memory_space<hbm>> -> memref<8192x8192xf32, #tpu.memory_space<hbm>>
      tpu.enqueue_indirect_dma source(%dma_start3A_117 : memref<8192x8192xf32, #tpu.memory_space<hbm>>) target(%dma_start3A_113 : memref<2x8192xf32, #tpu.memory_space<vmem>>) offsets(%dma_start3A_114 : memref<2xi32, #tpu.memory_space<vmem>>) semaphore(%arg19 : memref<!tpu.dma_semaphore, #tpu.memory_space<semaphore_mem>>)
      %dma_start3A_118 = arith.constant 1 : i32
      %dma_start3A_119 = arith.constant 0 : i32
      %dma_start3A_120 = arith.constant 0 : i32
      %dma_start3A_121 = tpu.memref_slice %arg16[%dma_start3A_118, %dma_start3A_119, %dma_start3A_120] : memref<2x2x8192xf32, #tpu.memory_space<vmem>> -> memref<1x2x8192xf32, #tpu.memory_space<vmem>>
      %dma_start3A_122 = tpu.memref_squeeze %dma_start3A_121 : memref<1x2x8192xf32, #tpu.memory_space<vmem>> -> memref<2x8192xf32, #tpu.memory_space<vmem>>
      %dma_start3A_123 = tpu.memref_slice %arg13[%mul3A_108] : memref<512xi32, #tpu.memory_space<vmem>> -> memref<2xi32, #tpu.memory_space<vmem>>
      %dma_start3A_124 = arith.constant 0 : i32
      %dma_start3A_125 = arith.constant 0 : i32
      %dma_start3A_126 = tpu.memref_slice %arg6[%dma_start3A_124, %dma_start3A_125] : memref<16384x8192xf32, #tpu.memory_space<hbm>> -> memref<16384x8192xf32, #tpu.memory_space<hbm>>
      tpu.enqueue_indirect_dma source(%dma_start3A_126 : memref<16384x8192xf32, #tpu.memory_space<hbm>>) target(%dma_start3A_122 : memref<2x8192xf32, #tpu.memory_space<vmem>>) offsets(%dma_start3A_123 : memref<2xi32, #tpu.memory_space<vmem>>) semaphore(%arg19 : memref<!tpu.dma_semaphore, #tpu.memory_space<semaphore_mem>>)
      %dma_start3A_127 = arith.constant 1 : i32
      %dma_start3A_128 = arith.constant 0 : i32
      %dma_start3A_129 = arith.constant 0 : i32
      %dma_start3A_130 = tpu.memref_slice %arg17[%dma_start3A_127, %dma_start3A_128, %dma_start3A_129] : memref<2x2x8192xf32, #tpu.memory_space<vmem>> -> memref<1x2x8192xf32, #tpu.memory_space<vmem>>
      %dma_start3A_131 = tpu.memref_squeeze %dma_start3A_130 : memref<1x2x8192xf32, #tpu.memory_space<vmem>> -> memref<2x8192xf32, #tpu.memory_space<vmem>>
      %dma_start3A_132 = tpu.memref_slice %arg14[%mul3A_108] : memref<512xi32, #tpu.memory_space<vmem>> -> memref<2xi32, #tpu.memory_space<vmem>>
      %dma_start3A_133 = arith.constant 0 : i32
      %dma_start3A_134 = arith.constant 0 : i32
      %dma_start3A_135 = tpu.memref_slice %arg7[%dma_start3A_133, %dma_start3A_134] : memref<16384x8192xf32, #tpu.memory_space<hbm>> -> memref<16384x8192xf32, #tpu.memory_space<hbm>>
      tpu.enqueue_indirect_dma source(%dma_start3A_135 : memref<16384x8192xf32, #tpu.memory_space<hbm>>) target(%dma_start3A_131 : memref<2x8192xf32, #tpu.memory_space<vmem>>) offsets(%dma_start3A_132 : memref<2xi32, #tpu.memory_space<vmem>>) semaphore(%arg19 : memref<!tpu.dma_semaphore, #tpu.memory_space<semaphore_mem>>)
      %mul3A_136 = arith.constant 8 : i32
      %mul3A_137 = arith.muli %add3A_104, %mul3A_136 : i32
      %dma_wait3A_138 = arith.constant 0 : i32
      %dma_wait3A_139 = arith.constant 0 : i32
      %dma_wait3A_140 = arith.constant 0 : i32
      %dma_wait3A_141 = tpu.memref_slice %arg15[%dma_wait3A_138, %dma_wait3A_139, %dma_wait3A_140] : memref<2x2x8192xf32, #tpu.memory_space<vmem>> -> memref<1x2x8192xf32, #tpu.memory_space<vmem>>
      %dma_wait3A_142 = tpu.memref_squeeze %dma_wait3A_141 : memref<1x2x8192xf32, #tpu.memory_space<vmem>> -> memref<2x8192xf32, #tpu.memory_space<vmem>>
      %dma_wait3A_143 = tpu.memref_slice %arg12[%mul3A_137] : memref<512xi32, #tpu.memory_space<vmem>> -> memref<2xi32, #tpu.memory_space<vmem>>
      %dma_wait3A_144 = arith.constant 0 : i32
      %dma_wait3A_145 = arith.constant 0 : i32
      %dma_wait3A_146 = tpu.memref_slice %arg5[%dma_wait3A_144, %dma_wait3A_145] : memref<8192x8192xf32, #tpu.memory_space<hbm>> -> memref<8192x8192xf32, #tpu.memory_space<hbm>>
      tpu.wait_indirect_dma semaphore(%arg18 : memref<!tpu.dma_semaphore, #tpu.memory_space<semaphore_mem>>) src(%dma_wait3A_146 : memref<8192x8192xf32, #tpu.memory_space<hbm>>) dst(%dma_wait3A_142 : memref<2x8192xf32, #tpu.memory_space<vmem>>)
      %dma_wait3A_147 = arith.constant 0 : i32
      %dma_wait3A_148 = arith.constant 0 : i32
      %dma_wait3A_149 = arith.constant 0 : i32
      %dma_wait3A_150 = tpu.memref_slice %arg16[%dma_wait3A_147, %dma_wait3A_148, %dma_wait3A_149] : memref<2x2x8192xf32, #tpu.memory_space<vmem>> -> memref<1x2x8192xf32, #tpu.memory_space<vmem>>
      %dma_wait3A_151 = tpu.memref_squeeze %dma_wait3A_150 : memref<1x2x8192xf32, #tpu.memory_space<vmem>> -> memref<2x8192xf32, #tpu.memory_space<vmem>>
      %dma_wait3A_152 = tpu.memref_slice %arg13[%mul3A_137] : memref<512xi32, #tpu.memory_space<vmem>> -> memref<2xi32, #tpu.memory_space<vmem>>
      %dma_wait3A_153 = arith.constant 0 : i32
      %dma_wait3A_154 = arith.constant 0 : i32
      %dma_wait3A_155 = tpu.memref_slice %arg6[%dma_wait3A_153, %dma_wait3A_154] : memref<16384x8192xf32, #tpu.memory_space<hbm>> -> memref<16384x8192xf32, #tpu.memory_space<hbm>>
      tpu.wait_indirect_dma semaphore(%arg18 : memref<!tpu.dma_semaphore, #tpu.memory_space<semaphore_mem>>) src(%dma_wait3A_155 : memref<16384x8192xf32, #tpu.memory_space<hbm>>) dst(%dma_wait3A_151 : memref<2x8192xf32, #tpu.memory_space<vmem>>)
      %dma_wait3A_156 = arith.constant 0 : i32
      %dma_wait3A_157 = arith.constant 0 : i32
      %dma_wait3A_158 = arith.constant 0 : i32
      %dma_wait3A_159 = tpu.memref_slice %arg17[%dma_wait3A_156, %dma_wait3A_157, %dma_wait3A_158] : memref<2x2x8192xf32, #tpu.memory_space<vmem>> -> memref<1x2x8192xf32, #tpu.memory_space<vmem>>
      %dma_wait3A_160 = tpu.memref_squeeze %dma_wait3A_159 : memref<1x2x8192xf32, #tpu.memory_space<vmem>> -> memref<2x8192xf32, #tpu.memory_space<vmem>>
      %dma_wait3A_161 = tpu.memref_slice %arg14[%mul3A_137] : memref<512xi32, #tpu.memory_space<vmem>> -> memref<2xi32, #tpu.memory_space<vmem>>
      %dma_wait3A_162 = arith.constant 0 : i32
      %dma_wait3A_163 = arith.constant 0 : i32
      %dma_wait3A_164 = tpu.memref_slice %arg7[%dma_wait3A_162, %dma_wait3A_163] : memref<16384x8192xf32, #tpu.memory_space<hbm>> -> memref<16384x8192xf32, #tpu.memory_space<hbm>>
      tpu.wait_indirect_dma semaphore(%arg18 : memref<!tpu.dma_semaphore, #tpu.memory_space<semaphore_mem>>) src(%dma_wait3A_164 : memref<16384x8192xf32, #tpu.memory_space<hbm>>) dst(%dma_wait3A_160 : memref<2x8192xf32, #tpu.memory_space<vmem>>)
      %ge3A = arith.constant 2 : i32
      %ge3A_165 = arith.cmpi sge, %add3A_104, %ge3A : i32
      %convert_element_type3A = arith.extui %ge3A_165 : i1 to i32
      %cond3A = arith.constant 0 : i32
      %cond3A_166 = arith.cmpi ne, %convert_element_type3A, %cond3A : i32
      scf.if %cond3A_166 {
        %sub3A_254 = arith.constant 2 : i32
        %sub3A_255 = arith.subi %add3A_104, %sub3A_254 : i32
        %mul3A_256 = arith.constant 2 : i32
        %mul3A_257 = arith.muli %sub3A_255, %mul3A_256 : i32
        %add3A_258 = arith.addi %mul3A_2, %mul3A_257 : i32
        %dma_wait3A_259 = arith.constant 0 : i32
        %dma_wait3A_260 = arith.constant 0 : i32
        %dma_wait3A_261 = arith.constant 0 : i32
        %dma_wait3A_262 = tpu.memref_slice %arg15[%dma_wait3A_259, %dma_wait3A_260, %dma_wait3A_261] : memref<2x2x8192xf32, #tpu.memory_space<vmem>> -> memref<1x2x8192xf32, #tpu.memory_space<vmem>>
        %dma_wait3A_263 = tpu.memref_squeeze %dma_wait3A_262 : memref<1x2x8192xf32, #tpu.memory_space<vmem>> -> memref<2x8192xf32, #tpu.memory_space<vmem>>
        %dma_wait3A_264 = arith.constant 0 : i32
        %dma_wait3A_265 = tpu.memref_slice %arg8[%add3A_258, %dma_wait3A_264] : memref<4096x8192xf32, #tpu.memory_space<hbm>> -> memref<2x8192xf32, #tpu.memory_space<hbm>>
        %dma_wait3A_266 = arith.constant 0 : i32
        %dma_wait3A_267 = tpu.memref_slice %arg8[%add3A_258, %dma_wait3A_266] : memref<4096x8192xf32, #tpu.memory_space<hbm>> -> memref<2x8192xf32, #tpu.memory_space<hbm>>
        %dma_wait3A_268 = arith.constant 0 : i32
        %dma_wait3A_269 = arith.constant 0 : i32
        %dma_wait3A_270 = tpu.memref_slice %arg15[%dma_wait3A_259, %dma_wait3A_268, %dma_wait3A_269] : memref<2x2x8192xf32, #tpu.memory_space<vmem>> -> memref<1x2x8192xf32, #tpu.memory_space<vmem>>
        %dma_wait3A_271 = tpu.memref_squeeze %dma_wait3A_270 : memref<1x2x8192xf32, #tpu.memory_space<vmem>> -> memref<2x8192xf32, #tpu.memory_space<vmem>>
        tpu.wait_dma2 semaphore(%arg20 : memref<!tpu.dma_semaphore, #tpu.memory_space<semaphore_mem>>) src(%dma_wait3A_271 : memref<2x8192xf32, #tpu.memory_space<vmem>>) dst(%dma_wait3A_267 : memref<2x8192xf32, #tpu.memory_space<hbm>>)
      } else {
      }
      %parallel_loop3A = arith.constant 0 : i32
      %parallel_loop3A_167 = arith.constant 8192 : i32
      %parallel_loop3A_168 = arith.constant 16 : i32
      scf.for %parallel_loop3A_254 = %parallel_loop3A to %parallel_loop3A_167 step %parallel_loop3A_168  : i32 {
        %parallel_loop3A_255 = arith.constant 0 : i32
        %parallel_loop3A_256 = arith.constant 0 : i32
        %parallel_loop3A_257 = arith.index_cast %parallel_loop3A_255 : i32 to index
        %parallel_loop3A_258 = arith.index_cast %parallel_loop3A_256 : i32 to index
        %parallel_loop3A_259 = arith.index_cast %parallel_loop3A_254 : i32 to index
        %parallel_loop3A_260 = tpu.vector_load %arg15[%parallel_loop3A_257, %parallel_loop3A_258, %parallel_loop3A_259] {strides = array<i32>} : memref<2x2x8192xf32, #tpu.memory_space<vmem>>, vector<16xf32>,
        %parallel_loop3A_261 = arith.constant 3.000000e-01 : f32
        %parallel_loop3A_262 = vector.broadcast %parallel_loop3A_261 : f32 to vector<16xf32>
        %parallel_loop3A_263 = arith.mulf %parallel_loop3A_262, %parallel_loop3A_260 : vector<16xf32>
        %parallel_loop3A_264 = arith.constant 0 : i32
        %parallel_loop3A_265 = arith.constant 0 : i32
        %parallel_loop3A_266 = arith.index_cast %parallel_loop3A_264 : i32 to index
        %parallel_loop3A_267 = arith.index_cast %parallel_loop3A_265 : i32 to index
        %parallel_loop3A_268 = arith.index_cast %parallel_loop3A_254 : i32 to index
        %parallel_loop3A_269 = tpu.vector_load %arg16[%parallel_loop3A_266, %parallel_loop3A_267, %parallel_loop3A_268] {strides = array<i32>} : memref<2x2x8192xf32, #tpu.memory_space<vmem>>, vector<16xf32>,
        %parallel_loop3A_270 = arith.constant 1.500000e-01 : f32
        %parallel_loop3A_271 = vector.broadcast %parallel_loop3A_270 : f32 to vector<16xf32>
        %parallel_loop3A_272 = arith.mulf %parallel_loop3A_271, %parallel_loop3A_269 : vector<16xf32>
        %parallel_loop3A_273 = arith.addf %parallel_loop3A_263, %parallel_loop3A_272 : vector<16xf32>
        %parallel_loop3A_274 = arith.constant 0 : i32
        %parallel_loop3A_275 = arith.constant 0 : i32
        %parallel_loop3A_276 = arith.index_cast %parallel_loop3A_274 : i32 to index
        %parallel_loop3A_277 = arith.index_cast %parallel_loop3A_275 : i32 to index
        %parallel_loop3A_278 = arith.index_cast %parallel_loop3A_254 : i32 to index
        %parallel_loop3A_279 = tpu.vector_load %arg17[%parallel_loop3A_276, %parallel_loop3A_277, %parallel_loop3A_278] {strides = array<i32>} : memref<2x2x8192xf32, #tpu.memory_space<vmem>>, vector<16xf32>,
        %parallel_loop3A_280 = arith.constant 1.000000e-01 : f32
        %parallel_loop3A_281 = vector.broadcast %parallel_loop3A_280 : f32 to vector<16xf32>
        %parallel_loop3A_282 = arith.mulf %parallel_loop3A_281, %parallel_loop3A_279 : vector<16xf32>
        %parallel_loop3A_283 = arith.addf %parallel_loop3A_273, %parallel_loop3A_282 : vector<16xf32>
        %parallel_loop3A_284 = arith.constant 0 : i32
        %parallel_loop3A_285 = arith.constant 0 : i32
        %parallel_loop3A_286 = arith.index_cast %parallel_loop3A_284 : i32 to index
        %parallel_loop3A_287 = arith.index_cast %parallel_loop3A_285 : i32 to index
        %parallel_loop3A_288 = arith.index_cast %parallel_loop3A_254 : i32 to index
        %parallel_loop3A_289 = tpu.vector_load %arg15[%parallel_loop3A_286, %parallel_loop3A_287, %parallel_loop3A_288] {strides = array<i32>} : memref<2x2x8192xf32, #tpu.memory_space<vmem>>, vector<16xf32>,
        tpu.vector_store %arg15[%parallel_loop3A_286, %parallel_loop3A_287, %parallel_loop3A_288], %parallel_loop3A_283 {strides = array<i32>} : memref<2x2x8192xf32, #tpu.memory_space<vmem>>, vector<16xf32>,
      } {sc.loop_unroll_factor = 8 : i64, sc.parallel_access}
      %parallel_loop3A_169 = arith.constant 0 : i32
      %parallel_loop3A_170 = arith.constant 8192 : i32
      %parallel_loop3A_171 = arith.constant 16 : i32
      scf.for %parallel_loop3A_254 = %parallel_loop3A_169 to %parallel_loop3A_170 step %parallel_loop3A_171  : i32 {
        %parallel_loop3A_255 = arith.constant 0 : i32
        %parallel_loop3A_256 = arith.constant 1 : i32
        %parallel_loop3A_257 = arith.index_cast %parallel_loop3A_255 : i32 to index
        %parallel_loop3A_258 = arith.index_cast %parallel_loop3A_256 : i32 to index
        %parallel_loop3A_259 = arith.index_cast %parallel_loop3A_254 : i32 to index
        %parallel_loop3A_260 = tpu.vector_load %arg15[%parallel_loop3A_257, %parallel_loop3A_258, %parallel_loop3A_259] {strides = array<i32>} : memref<2x2x8192xf32, #tpu.memory_space<vmem>>, vector<16xf32>,
        %parallel_loop3A_261 = arith.constant 3.000000e-01 : f32
        %parallel_loop3A_262 = vector.broadcast %parallel_loop3A_261 : f32 to vector<16xf32>
        %parallel_loop3A_263 = arith.mulf %parallel_loop3A_262, %parallel_loop3A_260 : vector<16xf32>
        %parallel_loop3A_264 = arith.constant 0 : i32
        %parallel_loop3A_265 = arith.constant 1 : i32
        %parallel_loop3A_266 = arith.index_cast %parallel_loop3A_264 : i32 to index
        %parallel_loop3A_267 = arith.index_cast %parallel_loop3A_265 : i32 to index
        %parallel_loop3A_268 = arith.index_cast %parallel_loop3A_254 : i32 to index
        %parallel_loop3A_269 = tpu.vector_load %arg16[%parallel_loop3A_266, %parallel_loop3A_267, %parallel_loop3A_268] {strides = array<i32>} : memref<2x2x8192xf32, #tpu.memory_space<vmem>>, vector<16xf32>,
        %parallel_loop3A_270 = arith.constant 1.500000e-01 : f32
        %parallel_loop3A_271 = vector.broadcast %parallel_loop3A_270 : f32 to vector<16xf32>
        %parallel_loop3A_272 = arith.mulf %parallel_loop3A_271, %parallel_loop3A_269 : vector<16xf32>
        %parallel_loop3A_273 = arith.addf %parallel_loop3A_263, %parallel_loop3A_272 : vector<16xf32>
        %parallel_loop3A_274 = arith.constant 0 : i32
        %parallel_loop3A_275 = arith.constant 1 : i32
        %parallel_loop3A_276 = arith.index_cast %parallel_loop3A_274 : i32 to index
        %parallel_loop3A_277 = arith.index_cast %parallel_loop3A_275 : i32 to index
        %parallel_loop3A_278 = arith.index_cast %parallel_loop3A_254 : i32 to index
        %parallel_loop3A_279 = tpu.vector_load %arg17[%parallel_loop3A_276, %parallel_loop3A_277, %parallel_loop3A_278] {strides = array<i32>} : memref<2x2x8192xf32, #tpu.memory_space<vmem>>, vector<16xf32>,
        %parallel_loop3A_280 = arith.constant 1.000000e-01 : f32
        %parallel_loop3A_281 = vector.broadcast %parallel_loop3A_280 : f32 to vector<16xf32>
        %parallel_loop3A_282 = arith.mulf %parallel_loop3A_281, %parallel_loop3A_279 : vector<16xf32>
        %parallel_loop3A_283 = arith.addf %parallel_loop3A_273, %parallel_loop3A_282 : vector<16xf32>
        %parallel_loop3A_284 = arith.constant 0 : i32
        %parallel_loop3A_285 = arith.constant 1 : i32
        %parallel_loop3A_286 = arith.index_cast %parallel_loop3A_284 : i32 to index
        %parallel_loop3A_287 = arith.index_cast %parallel_loop3A_285 : i32 to index
        %parallel_loop3A_288 = arith.index_cast %parallel_loop3A_254 : i32 to index
        %parallel_loop3A_289 = tpu.vector_load %arg15[%parallel_loop3A_286, %parallel_loop3A_287, %parallel_loop3A_288] {strides = array<i32>} : memref<2x2x8192xf32, #tpu.memory_space<vmem>>, vector<16xf32>,
        tpu.vector_store %arg15[%parallel_loop3A_286, %parallel_loop3A_287, %parallel_loop3A_288], %parallel_loop3A_283 {strides = array<i32>} : memref<2x2x8192xf32, #tpu.memory_space<vmem>>, vector<16xf32>,
      } {sc.loop_unroll_factor = 8 : i64, sc.parallel_access}
      %mul3A_172 = arith.constant 2 : i32
      %mul3A_173 = arith.muli %add3A_104, %mul3A_172 : i32
      %add3A_174 = arith.addi %mul3A_2, %mul3A_173 : i32
      %dma_start3A_175 = arith.constant 0 : i32
      %dma_start3A_176 = arith.constant 0 : i32
      %dma_start3A_177 = arith.constant 0 : i32
      %dma_start3A_178 = tpu.memref_slice %arg15[%dma_start3A_175, %dma_start3A_176, %dma_start3A_177] : memref<2x2x8192xf32, #tpu.memory_space<vmem>> -> memref<1x2x8192xf32, #tpu.memory_space<vmem>>
      %dma_start3A_179 = tpu.memref_squeeze %dma_start3A_178 : memref<1x2x8192xf32, #tpu.memory_space<vmem>> -> memref<2x8192xf32, #tpu.memory_space<vmem>>
      %dma_start3A_180 = arith.constant 0 : i32
      %dma_start3A_181 = tpu.memref_slice %arg8[%add3A_174, %dma_start3A_180] : memref<4096x8192xf32, #tpu.memory_space<hbm>> -> memref<2x8192xf32, #tpu.memory_space<hbm>>
      %dma_start3A_182 = arith.constant 0 : i32
      %dma_start3A_183 = tpu.memref_slice %arg8[%add3A_174, %dma_start3A_182] : memref<4096x8192xf32, #tpu.memory_space<hbm>> -> memref<2x8192xf32, #tpu.memory_space<hbm>>
      %dma_start3A_184 = arith.constant 0 : i32
      %dma_start3A_185 = arith.constant 0 : i32
      %dma_start3A_186 = tpu.memref_slice %arg15[%dma_start3A_175, %dma_start3A_184, %dma_start3A_185] : memref<2x2x8192xf32, #tpu.memory_space<vmem>> -> memref<1x2x8192xf32, #tpu.memory_space<vmem>>
      %dma_start3A_187 = tpu.memref_squeeze %dma_start3A_186 : memref<1x2x8192xf32, #tpu.memory_space<vmem>> -> memref<2x8192xf32, #tpu.memory_space<vmem>>
      tpu.enqueue_dma source(%dma_start3A_187 : memref<2x8192xf32, #tpu.memory_space<vmem>>) target(%dma_start3A_183 : memref<2x8192xf32, #tpu.memory_space<hbm>>) target_semaphore(%arg20 : memref<!tpu.dma_semaphore, #tpu.memory_space<semaphore_mem>>)
      %add3A_188 = arith.constant 2 : i32
      %add3A_189 = arith.addi %add3A_104, %add3A_188 : i32
      %lt3A = arith.constant 64 : i32
      %lt3A_190 = arith.cmpi slt, %add3A_189, %lt3A : i32
      %convert_element_type3A_191 = arith.extui %lt3A_190 : i1 to i32
      %cond3A_192 = arith.constant 0 : i32
      %cond3A_193 = arith.cmpi ne, %convert_element_type3A_191, %cond3A_192 : i32
      scf.if %cond3A_193 {
        %add3A_254 = arith.constant 2 : i32
        %add3A_255 = arith.addi %add3A_104, %add3A_254 : i32
        %mul3A_256 = arith.constant 8 : i32
        %mul3A_257 = arith.muli %add3A_255, %mul3A_256 : i32
        %dma_start3A_258 = arith.constant 0 : i32
        %dma_start3A_259 = arith.constant 0 : i32
        %dma_start3A_260 = arith.constant 0 : i32
        %dma_start3A_261 = tpu.memref_slice %arg15[%dma_start3A_258, %dma_start3A_259, %dma_start3A_260] : memref<2x2x8192xf32, #tpu.memory_space<vmem>> -> memref<1x2x8192xf32, #tpu.memory_space<vmem>>
        %dma_start3A_262 = tpu.memref_squeeze %dma_start3A_261 : memref<1x2x8192xf32, #tpu.memory_space<vmem>> -> memref<2x8192xf32, #tpu.memory_space<vmem>>
        %dma_start3A_263 = tpu.memref_slice %arg12[%mul3A_257] : memref<512xi32, #tpu.memory_space<vmem>> -> memref<2xi32, #tpu.memory_space<vmem>>
        %dma_start3A_264 = arith.constant 0 : i32
        %dma_start3A_265 = arith.constant 0 : i32
        %dma_start3A_266 = tpu.memref_slice %arg5[%dma_start3A_264, %dma_start3A_265] : memref<8192x8192xf32, #tpu.memory_space<hbm>> -> memref<8192x8192xf32, #tpu.memory_space<hbm>>
        tpu.enqueue_indirect_dma source(%dma_start3A_266 : memref<8192x8192xf32, #tpu.memory_space<hbm>>) target(%dma_start3A_262 : memref<2x8192xf32, #tpu.memory_space<vmem>>) offsets(%dma_start3A_263 : memref<2xi32, #tpu.memory_space<vmem>>) semaphore(%arg18 : memref<!tpu.dma_semaphore, #tpu.memory_space<semaphore_mem>>)
        %dma_start3A_267 = arith.constant 0 : i32
        %dma_start3A_268 = arith.constant 0 : i32
        %dma_start3A_269 = arith.constant 0 : i32
        %dma_start3A_270 = tpu.memref_slice %arg16[%dma_start3A_267, %dma_start3A_268, %dma_start3A_269] : memref<2x2x8192xf32, #tpu.memory_space<vmem>> -> memref<1x2x8192xf32, #tpu.memory_space<vmem>>
        %dma_start3A_271 = tpu.memref_squeeze %dma_start3A_270 : memref<1x2x8192xf32, #tpu.memory_space<vmem>> -> memref<2x8192xf32, #tpu.memory_space<vmem>>
        %dma_start3A_272 = tpu.memref_slice %arg13[%mul3A_257] : memref<512xi32, #tpu.memory_space<vmem>> -> memref<2xi32, #tpu.memory_space<vmem>>
        %dma_start3A_273 = arith.constant 0 : i32
        %dma_start3A_274 = arith.constant 0 : i32
        %dma_start3A_275 = tpu.memref_slice %arg6[%dma_start3A_273, %dma_start3A_274] : memref<16384x8192xf32, #tpu.memory_space<hbm>> -> memref<16384x8192xf32, #tpu.memory_space<hbm>>
        tpu.enqueue_indirect_dma source(%dma_start3A_275 : memref<16384x8192xf32, #tpu.memory_space<hbm>>) target(%dma_start3A_271 : memref<2x8192xf32, #tpu.memory_space<vmem>>) offsets(%dma_start3A_272 : memref<2xi32, #tpu.memory_space<vmem>>) semaphore(%arg18 : memref<!tpu.dma_semaphore, #tpu.memory_space<semaphore_mem>>)
        %dma_start3A_276 = arith.constant 0 : i32
        %dma_start3A_277 = arith.constant 0 : i32
        %dma_start3A_278 = arith.constant 0 : i32
        %dma_start3A_279 = tpu.memref_slice %arg17[%dma_start3A_276, %dma_start3A_277, %dma_start3A_278] : memref<2x2x8192xf32, #tpu.memory_space<vmem>> -> memref<1x2x8192xf32, #tpu.memory_space<vmem>>
        %dma_start3A_280 = tpu.memref_squeeze %dma_start3A_279 : memref<1x2x8192xf32, #tpu.memory_space<vmem>> -> memref<2x8192xf32, #tpu.memory_space<vmem>>
        %dma_start3A_281 = tpu.memref_slice %arg14[%mul3A_257] : memref<512xi32, #tpu.memory_space<vmem>> -> memref<2xi32, #tpu.memory_space<vmem>>
        %dma_start3A_282 = arith.constant 0 : i32
        %dma_start3A_283 = arith.constant 0 : i32
        %dma_start3A_284 = tpu.memref_slice %arg7[%dma_start3A_282, %dma_start3A_283] : memref<16384x8192xf32, #tpu.memory_space<hbm>> -> memref<16384x8192xf32, #tpu.memory_space<hbm>>
        tpu.enqueue_indirect_dma source(%dma_start3A_284 : memref<16384x8192xf32, #tpu.memory_space<hbm>>) target(%dma_start3A_280 : memref<2x8192xf32, #tpu.memory_space<vmem>>) offsets(%dma_start3A_281 : memref<2xi32, #tpu.memory_space<vmem>>) semaphore(%arg18 : memref<!tpu.dma_semaphore, #tpu.memory_space<semaphore_mem>>)
      } else {
      }
      %add3A_194 = arith.constant 1 : i32
      %add3A_195 = arith.addi %add3A_104, %add3A_194 : i32
      %mul3A_196 = arith.constant 8 : i32
      %mul3A_197 = arith.muli %add3A_195, %mul3A_196 : i32
      %dma_wait3A_198 = arith.constant 1 : i32
      %dma_wait3A_199 = arith.constant 0 : i32
      %dma_wait3A_200 = arith.constant 0 : i32
      %dma_wait3A_201 = tpu.memref_slice %arg15[%dma_wait3A_198, %dma_wait3A_199, %dma_wait3A_200] : memref<2x2x8192xf32, #tpu.memory_space<vmem>> -> memref<1x2x8192xf32, #tpu.memory_space<vmem>>
      %dma_wait3A_202 = tpu.memref_squeeze %dma_wait3A_201 : memref<1x2x8192xf32, #tpu.memory_space<vmem>> -> memref<2x8192xf32, #tpu.memory_space<vmem>>
      %dma_wait3A_203 = tpu.memref_slice %arg12[%mul3A_197] : memref<512xi32, #tpu.memory_space<vmem>> -> memref<2xi32, #tpu.memory_space<vmem>>
      %dma_wait3A_204 = arith.constant 0 : i32
      %dma_wait3A_205 = arith.constant 0 : i32
      %dma_wait3A_206 = tpu.memref_slice %arg5[%dma_wait3A_204, %dma_wait3A_205] : memref<8192x8192xf32, #tpu.memory_space<hbm>> -> memref<8192x8192xf32, #tpu.memory_space<hbm>>
      tpu.wait_indirect_dma semaphore(%arg19 : memref<!tpu.dma_semaphore, #tpu.memory_space<semaphore_mem>>) src(%dma_wait3A_206 : memref<8192x8192xf32, #tpu.memory_space<hbm>>) dst(%dma_wait3A_202 : memref<2x8192xf32, #tpu.memory_space<vmem>>)
      %dma_wait3A_207 = arith.constant 1 : i32
      %dma_wait3A_208 = arith.constant 0 : i32
      %dma_wait3A_209 = arith.constant 0 : i32
      %dma_wait3A_210 = tpu.memref_slice %arg16[%dma_wait3A_207, %dma_wait3A_208, %dma_wait3A_209] : memref<2x2x8192xf32, #tpu.memory_space<vmem>> -> memref<1x2x8192xf32, #tpu.memory_space<vmem>>
      %dma_wait3A_211 = tpu.memref_squeeze %dma_wait3A_210 : memref<1x2x8192xf32, #tpu.memory_space<vmem>> -> memref<2x8192xf32, #tpu.memory_space<vmem>>
      %dma_wait3A_212 = tpu.memref_slice %arg13[%mul3A_197] : memref<512xi32, #tpu.memory_space<vmem>> -> memref<2xi32, #tpu.memory_space<vmem>>
      %dma_wait3A_213 = arith.constant 0 : i32
      %dma_wait3A_214 = arith.constant 0 : i32
      %dma_wait3A_215 = tpu.memref_slice %arg6[%dma_wait3A_213, %dma_wait3A_214] : memref<16384x8192xf32, #tpu.memory_space<hbm>> -> memref<16384x8192xf32, #tpu.memory_space<hbm>>
      tpu.wait_indirect_dma semaphore(%arg19 : memref<!tpu.dma_semaphore, #tpu.memory_space<semaphore_mem>>) src(%dma_wait3A_215 : memref<16384x8192xf32, #tpu.memory_space<hbm>>) dst(%dma_wait3A_211 : memref<2x8192xf32, #tpu.memory_space<vmem>>)
      %dma_wait3A_216 = arith.constant 1 : i32
      %dma_wait3A_217 = arith.constant 0 : i32
      %dma_wait3A_218 = arith.constant 0 : i32
      %dma_wait3A_219 = tpu.memref_slice %arg17[%dma_wait3A_216, %dma_wait3A_217, %dma_wait3A_218] : memref<2x2x8192xf32, #tpu.memory_space<vmem>> -> memref<1x2x8192xf32, #tpu.memory_space<vmem>>
      %dma_wait3A_220 = tpu.memref_squeeze %dma_wait3A_219 : memref<1x2x8192xf32, #tpu.memory_space<vmem>> -> memref<2x8192xf32, #tpu.memory_space<vmem>>
      %dma_wait3A_221 = tpu.memref_slice %arg14[%mul3A_197] : memref<512xi32, #tpu.memory_space<vmem>> -> memref<2xi32, #tpu.memory_space<vmem>>
      %dma_wait3A_222 = arith.constant 0 : i32
      %dma_wait3A_223 = arith.constant 0 : i32
      %dma_wait3A_224 = tpu.memref_slice %arg7[%dma_wait3A_222, %dma_wait3A_223] : memref<16384x8192xf32, #tpu.memory_space<hbm>> -> memref<16384x8192xf32, #tpu.memory_space<hbm>>
      tpu.wait_indirect_dma semaphore(%arg19 : memref<!tpu.dma_semaphore, #tpu.memory_space<semaphore_mem>>) src(%dma_wait3A_224 : memref<16384x8192xf32, #tpu.memory_space<hbm>>) dst(%dma_wait3A_220 : memref<2x8192xf32, #tpu.memory_space<vmem>>)
      %ge3A_225 = arith.constant 2 : i32
      %ge3A_226 = arith.cmpi sge, %add3A_104, %ge3A_225 : i32
      %convert_element_type3A_227 = arith.extui %ge3A_226 : i1 to i32
      %cond3A_228 = arith.constant 0 : i32
      %cond3A_229 = arith.cmpi ne, %convert_element_type3A_227, %cond3A_228 : i32
      scf.if %cond3A_229 {
        %sub3A_254 = arith.constant 1 : i32
        %sub3A_255 = arith.subi %add3A_104, %sub3A_254 : i32
        %mul3A_256 = arith.constant 2 : i32
        %mul3A_257 = arith.muli %sub3A_255, %mul3A_256 : i32
        %add3A_258 = arith.addi %mul3A_2, %mul3A_257 : i32
        %dma_wait3A_259 = arith.constant 1 : i32
        %dma_wait3A_260 = arith.constant 0 : i32
        %dma_wait3A_261 = arith.constant 0 : i32
        %dma_wait3A_262 = tpu.memref_slice %arg15[%dma_wait3A_259, %dma_wait3A_260, %dma_wait3A_261] : memref<2x2x8192xf32, #tpu.memory_space<vmem>> -> memref<1x2x8192xf32, #tpu.memory_space<vmem>>
        %dma_wait3A_263 = tpu.memref_squeeze %dma_wait3A_262 : memref<1x2x8192xf32, #tpu.memory_space<vmem>> -> memref<2x8192xf32, #tpu.memory_space<vmem>>
        %dma_wait3A_264 = arith.constant 0 : i32
        %dma_wait3A_265 = tpu.memref_slice %arg8[%add3A_258, %dma_wait3A_264] : memref<4096x8192xf32, #tpu.memory_space<hbm>> -> memref<2x8192xf32, #tpu.memory_space<hbm>>
        %dma_wait3A_266 = arith.constant 0 : i32
        %dma_wait3A_267 = tpu.memref_slice %arg8[%add3A_258, %dma_wait3A_266] : memref<4096x8192xf32, #tpu.memory_space<hbm>> -> memref<2x8192xf32, #tpu.memory_space<hbm>>
        %dma_wait3A_268 = arith.constant 0 : i32
        %dma_wait3A_269 = arith.constant 0 : i32
        %dma_wait3A_270 = tpu.memref_slice %arg15[%dma_wait3A_259, %dma_wait3A_268, %dma_wait3A_269] : memref<2x2x8192xf32, #tpu.memory_space<vmem>> -> memref<1x2x8192xf32, #tpu.memory_space<vmem>>
        %dma_wait3A_271 = tpu.memref_squeeze %dma_wait3A_270 : memref<1x2x8192xf32, #tpu.memory_space<vmem>> -> memref<2x8192xf32, #tpu.memory_space<vmem>>
        tpu.wait_dma2 semaphore(%arg21 : memref<!tpu.dma_semaphore, #tpu.memory_space<semaphore_mem>>) src(%dma_wait3A_271 : memref<2x8192xf32, #tpu.memory_space<vmem>>) dst(%dma_wait3A_267 : memref<2x8192xf32, #tpu.memory_space<hbm>>)
      } else {
      }
      %parallel_loop3A_230 = arith.constant 0 : i32
      %parallel_loop3A_231 = arith.constant 8192 : i32
      %parallel_loop3A_232 = arith.constant 16 : i32
      scf.for %parallel_loop3A_254 = %parallel_loop3A_230 to %parallel_loop3A_231 step %parallel_loop3A_232  : i32 {
        %parallel_loop3A_255 = arith.constant 1 : i32
        %parallel_loop3A_256 = arith.constant 0 : i32
        %parallel_loop3A_257 = arith.index_cast %parallel_loop3A_255 : i32 to index
        %parallel_loop3A_258 = arith.index_cast %parallel_loop3A_256 : i32 to index
        %parallel_loop3A_259 = arith.index_cast %parallel_loop3A_254 : i32 to index
        %parallel_loop3A_260 = tpu.vector_load %arg15[%parallel_loop3A_257, %parallel_loop3A_258, %parallel_loop3A_259] {strides = array<i32>} : memref<2x2x8192xf32, #tpu.memory_space<vmem>>, vector<16xf32>,
        %parallel_loop3A_261 = arith.constant 3.000000e-01 : f32
        %parallel_loop3A_262 = vector.broadcast %parallel_loop3A_261 : f32 to vector<16xf32>
        %parallel_loop3A_263 = arith.mulf %parallel_loop3A_262, %parallel_loop3A_260 : vector<16xf32>
        %parallel_loop3A_264 = arith.constant 1 : i32
        %parallel_loop3A_265 = arith.constant 0 : i32
        %parallel_loop3A_266 = arith.index_cast %parallel_loop3A_264 : i32 to index
        %parallel_loop3A_267 = arith.index_cast %parallel_loop3A_265 : i32 to index
        %parallel_loop3A_268 = arith.index_cast %parallel_loop3A_254 : i32 to index
        %parallel_loop3A_269 = tpu.vector_load %arg16[%parallel_loop3A_266, %parallel_loop3A_267, %parallel_loop3A_268] {strides = array<i32>} : memref<2x2x8192xf32, #tpu.memory_space<vmem>>, vector<16xf32>,
        %parallel_loop3A_270 = arith.constant 1.500000e-01 : f32
        %parallel_loop3A_271 = vector.broadcast %parallel_loop3A_270 : f32 to vector<16xf32>
        %parallel_loop3A_272 = arith.mulf %parallel_loop3A_271, %parallel_loop3A_269 : vector<16xf32>
        %parallel_loop3A_273 = arith.addf %parallel_loop3A_263, %parallel_loop3A_272 : vector<16xf32>
        %parallel_loop3A_274 = arith.constant 1 : i32
        %parallel_loop3A_275 = arith.constant 0 : i32
        %parallel_loop3A_276 = arith.index_cast %parallel_loop3A_274 : i32 to index
        %parallel_loop3A_277 = arith.index_cast %parallel_loop3A_275 : i32 to index
        %parallel_loop3A_278 = arith.index_cast %parallel_loop3A_254 : i32 to index
        %parallel_loop3A_279 = tpu.vector_load %arg17[%parallel_loop3A_276, %parallel_loop3A_277, %parallel_loop3A_278] {strides = array<i32>} : memref<2x2x8192xf32, #tpu.memory_space<vmem>>, vector<16xf32>,
        %parallel_loop3A_280 = arith.constant 1.000000e-01 : f32
        %parallel_loop3A_281 = vector.broadcast %parallel_loop3A_280 : f32 to vector<16xf32>
        %parallel_loop3A_282 = arith.mulf %parallel_loop3A_281, %parallel_loop3A_279 : vector<16xf32>
        %parallel_loop3A_283 = arith.addf %parallel_loop3A_273, %parallel_loop3A_282 : vector<16xf32>
        %parallel_loop3A_284 = arith.constant 1 : i32
        %parallel_loop3A_285 = arith.constant 0 : i32
        %parallel_loop3A_286 = arith.index_cast %parallel_loop3A_284 : i32 to index
        %parallel_loop3A_287 = arith.index_cast %parallel_loop3A_285 : i32 to index
        %parallel_loop3A_288 = arith.index_cast %parallel_loop3A_254 : i32 to index
        %parallel_loop3A_289 = tpu.vector_load %arg15[%parallel_loop3A_286, %parallel_loop3A_287, %parallel_loop3A_288] {strides = array<i32>} : memref<2x2x8192xf32, #tpu.memory_space<vmem>>, vector<16xf32>,
        tpu.vector_store %arg15[%parallel_loop3A_286, %parallel_loop3A_287, %parallel_loop3A_288], %parallel_loop3A_283 {strides = array<i32>} : memref<2x2x8192xf32, #tpu.memory_space<vmem>>, vector<16xf32>,
      } {sc.loop_unroll_factor = 8 : i64, sc.parallel_access}
      %parallel_loop3A_233 = arith.constant 0 : i32
      %parallel_loop3A_234 = arith.constant 8192 : i32
      %parallel_loop3A_235 = arith.constant 16 : i32
      scf.for %parallel_loop3A_254 = %parallel_loop3A_233 to %parallel_loop3A_234 step %parallel_loop3A_235  : i32 {
        %parallel_loop3A_255 = arith.constant 1 : i32
        %parallel_loop3A_256 = arith.constant 1 : i32
        %parallel_loop3A_257 = arith.index_cast %parallel_loop3A_255 : i32 to index
        %parallel_loop3A_258 = arith.index_cast %parallel_loop3A_256 : i32 to index
        %parallel_loop3A_259 = arith.index_cast %parallel_loop3A_254 : i32 to index
        %parallel_loop3A_260 = tpu.vector_load %arg15[%parallel_loop3A_257, %parallel_loop3A_258, %parallel_loop3A_259] {strides = array<i32>} : memref<2x2x8192xf32, #tpu.memory_space<vmem>>, vector<16xf32>,
        %parallel_loop3A_261 = arith.constant 3.000000e-01 : f32
        %parallel_loop3A_262 = vector.broadcast %parallel_loop3A_261 : f32 to vector<16xf32>
        %parallel_loop3A_263 = arith.mulf %parallel_loop3A_262, %parallel_loop3A_260 : vector<16xf32>
        %parallel_loop3A_264 = arith.constant 1 : i32
        %parallel_loop3A_265 = arith.constant 1 : i32
        %parallel_loop3A_266 = arith.index_cast %parallel_loop3A_264 : i32 to index
        %parallel_loop3A_267 = arith.index_cast %parallel_loop3A_265 : i32 to index
        %parallel_loop3A_268 = arith.index_cast %parallel_loop3A_254 : i32 to index
        %parallel_loop3A_269 = tpu.vector_load %arg16[%parallel_loop3A_266, %parallel_loop3A_267, %parallel_loop3A_268] {strides = array<i32>} : memref<2x2x8192xf32, #tpu.memory_space<vmem>>, vector<16xf32>,
        %parallel_loop3A_270 = arith.constant 1.500000e-01 : f32
        %parallel_loop3A_271 = vector.broadcast %parallel_loop3A_270 : f32 to vector<16xf32>
        %parallel_loop3A_272 = arith.mulf %parallel_loop3A_271, %parallel_loop3A_269 : vector<16xf32>
        %parallel_loop3A_273 = arith.addf %parallel_loop3A_263, %parallel_loop3A_272 : vector<16xf32>
        %parallel_loop3A_274 = arith.constant 1 : i32
        %parallel_loop3A_275 = arith.constant 1 : i32
        %parallel_loop3A_276 = arith.index_cast %parallel_loop3A_274 : i32 to index
        %parallel_loop3A_277 = arith.index_cast %parallel_loop3A_275 : i32 to index
        %parallel_loop3A_278 = arith.index_cast %parallel_loop3A_254 : i32 to index
        %parallel_loop3A_279 = tpu.vector_load %arg17[%parallel_loop3A_276, %parallel_loop3A_277, %parallel_loop3A_278] {strides = array<i32>} : memref<2x2x8192xf32, #tpu.memory_space<vmem>>, vector<16xf32>,
        %parallel_loop3A_280 = arith.constant 1.000000e-01 : f32
        %parallel_loop3A_281 = vector.broadcast %parallel_loop3A_280 : f32 to vector<16xf32>
        %parallel_loop3A_282 = arith.mulf %parallel_loop3A_281, %parallel_loop3A_279 : vector<16xf32>
        %parallel_loop3A_283 = arith.addf %parallel_loop3A_273, %parallel_loop3A_282 : vector<16xf32>
        %parallel_loop3A_284 = arith.constant 1 : i32
        %parallel_loop3A_285 = arith.constant 1 : i32
        %parallel_loop3A_286 = arith.index_cast %parallel_loop3A_284 : i32 to index
        %parallel_loop3A_287 = arith.index_cast %parallel_loop3A_285 : i32 to index
        %parallel_loop3A_288 = arith.index_cast %parallel_loop3A_254 : i32 to index
        %parallel_loop3A_289 = tpu.vector_load %arg15[%parallel_loop3A_286, %parallel_loop3A_287, %parallel_loop3A_288] {strides = array<i32>} : memref<2x2x8192xf32, #tpu.memory_space<vmem>>, vector<16xf32>,
        tpu.vector_store %arg15[%parallel_loop3A_286, %parallel_loop3A_287, %parallel_loop3A_288], %parallel_loop3A_283 {strides = array<i32>} : memref<2x2x8192xf32, #tpu.memory_space<vmem>>, vector<16xf32>,
      } {sc.loop_unroll_factor = 8 : i64, sc.parallel_access}
      %add3A_236 = arith.constant 1 : i32
      %add3A_237 = arith.addi %add3A_104, %add3A_236 : i32
      %mul3A_238 = arith.constant 2 : i32
      %mul3A_239 = arith.muli %add3A_237, %mul3A_238 : i32
      %add3A_240 = arith.addi %mul3A_2, %mul3A_239 : i32
      %dma_start3A_241 = arith.constant 1 : i32
      %dma_start3A_242 = arith.constant 0 : i32
      %dma_start3A_243 = arith.constant 0 : i32
      %dma_start3A_244 = tpu.memref_slice %arg15[%dma_start3A_241, %dma_start3A_242, %dma_start3A_243] : memref<2x2x8192xf32, #tpu.memory_space<vmem>> -> memref<1x2x8192xf32, #tpu.memory_space<vmem>>
      %dma_start3A_245 = tpu.memref_squeeze %dma_start3A_244 : memref<1x2x8192xf32, #tpu.memory_space<vmem>> -> memref<2x8192xf32, #tpu.memory_space<vmem>>
      %dma_start3A_246 = arith.constant 0 : i32
      %dma_start3A_247 = tpu.memref_slice %arg8[%add3A_240, %dma_start3A_246] : memref<4096x8192xf32, #tpu.memory_space<hbm>> -> memref<2x8192xf32, #tpu.memory_space<hbm>>
      %dma_start3A_248 = arith.constant 0 : i32
      %dma_start3A_249 = tpu.memref_slice %arg8[%add3A_240, %dma_start3A_248] : memref<4096x8192xf32, #tpu.memory_space<hbm>> -> memref<2x8192xf32, #tpu.memory_space<hbm>>
      %dma_start3A_250 = arith.constant 0 : i32
      %dma_start3A_251 = arith.constant 0 : i32
      %dma_start3A_252 = tpu.memref_slice %arg15[%dma_start3A_241, %dma_start3A_250, %dma_start3A_251] : memref<2x2x8192xf32, #tpu.memory_space<vmem>> -> memref<1x2x8192xf32, #tpu.memory_space<vmem>>
      %dma_start3A_253 = tpu.memref_squeeze %dma_start3A_252 : memref<1x2x8192xf32, #tpu.memory_space<vmem>> -> memref<2x8192xf32, #tpu.memory_space<vmem>>
      tpu.enqueue_dma source(%dma_start3A_253 : memref<2x8192xf32, #tpu.memory_space<vmem>>) target(%dma_start3A_249 : memref<2x8192xf32, #tpu.memory_space<hbm>>) target_semaphore(%arg21 : memref<!tpu.dma_semaphore, #tpu.memory_space<semaphore_mem>>)
    }
    %scan3A_70 = arith.constant 32 : i32
    %add3A_71 = arith.constant 124 : i32
    %add3A_72 = arith.addi %mul3A_2, %add3A_71 : i32
    %dma_wait3A = arith.constant 0 : i32
    %dma_wait3A_73 = arith.constant 0 : i32
    %dma_wait3A_74 = arith.constant 0 : i32
    %dma_wait3A_75 = tpu.memref_slice %arg15[%dma_wait3A, %dma_wait3A_73, %dma_wait3A_74] : memref<2x2x8192xf32, #tpu.memory_space<vmem>> -> memref<1x2x8192xf32, #tpu.memory_space<vmem>>
    %dma_wait3A_76 = tpu.memref_squeeze %dma_wait3A_75 : memref<1x2x8192xf32, #tpu.memory_space<vmem>> -> memref<2x8192xf32, #tpu.memory_space<vmem>>
    %dma_wait3A_77 = arith.constant 0 : i32
    %dma_wait3A_78 = tpu.memref_slice %arg8[%add3A_72, %dma_wait3A_77] : memref<4096x8192xf32, #tpu.memory_space<hbm>> -> memref<2x8192xf32, #tpu.memory_space<hbm>>
    %dma_wait3A_79 = arith.constant 0 : i32
    %dma_wait3A_80 = tpu.memref_slice %arg8[%add3A_72, %dma_wait3A_79] : memref<4096x8192xf32, #tpu.memory_space<hbm>> -> memref<2x8192xf32, #tpu.memory_space<hbm>>
    %dma_wait3A_81 = arith.constant 0 : i32
    %dma_wait3A_82 = arith.constant 0 : i32
    %dma_wait3A_83 = tpu.memref_slice %arg15[%dma_wait3A, %dma_wait3A_81, %dma_wait3A_82] : memref<2x2x8192xf32, #tpu.memory_space<vmem>> -> memref<1x2x8192xf32, #tpu.memory_space<vmem>>
    %dma_wait3A_84 = tpu.memref_squeeze %dma_wait3A_83 : memref<1x2x8192xf32, #tpu.memory_space<vmem>> -> memref<2x8192xf32, #tpu.memory_space<vmem>>
    tpu.wait_dma2 semaphore(%arg20 : memref<!tpu.dma_semaphore, #tpu.memory_space<semaphore_mem>>) src(%dma_wait3A_84 : memref<2x8192xf32, #tpu.memory_space<vmem>>) dst(%dma_wait3A_80 : memref<2x8192xf32, #tpu.memory_space<hbm>>)
    %add3A_85 = arith.constant 126 : i32
    %add3A_86 = arith.addi %mul3A_2, %add3A_85 : i32
    %dma_wait3A_87 = arith.constant 1 : i32
    %dma_wait3A_88 = arith.constant 0 : i32
    %dma_wait3A_89 = arith.constant 0 : i32
    %dma_wait3A_90 = tpu.memref_slice %arg15[%dma_wait3A_87, %dma_wait3A_88, %dma_wait3A_89] : memref<2x2x8192xf32, #tpu.memory_space<vmem>> -> memref<1x2x8192xf32, #tpu.memory_space<vmem>>
    %dma_wait3A_91 = tpu.memref_squeeze %dma_wait3A_90 : memref<1x2x8192xf32, #tpu.memory_space<vmem>> -> memref<2x8192xf32, #tpu.memory_space<vmem>>
    %dma_wait3A_92 = arith.constant 0 : i32
    %dma_wait3A_93 = tpu.memref_slice %arg8[%add3A_86, %dma_wait3A_92] : memref<4096x8192xf32, #tpu.memory_space<hbm>> -> memref<2x8192xf32, #tpu.memory_space<hbm>>
    %dma_wait3A_94 = arith.constant 0 : i32
    %dma_wait3A_95 = tpu.memref_slice %arg8[%add3A_86, %dma_wait3A_94] : memref<4096x8192xf32, #tpu.memory_space<hbm>> -> memref<2x8192xf32, #tpu.memory_space<hbm>>
    %dma_wait3A_96 = arith.constant 0 : i32
    %dma_wait3A_97 = arith.constant 0 : i32
    %dma_wait3A_98 = tpu.memref_slice %arg15[%dma_wait3A_87, %dma_wait3A_96, %dma_wait3A_97] : memref<2x2x8192xf32, #tpu.memory_space<vmem>> -> memref<1x2x8192xf32, #tpu.memory_space<vmem>>
    %dma_wait3A_99 = tpu.memref_squeeze %dma_wait3A_98 : memref<1x2x8192xf32, #tpu.memory_space<vmem>> -> memref<2x8192xf32, #tpu.memory_space<vmem>>
    tpu.wait_dma2 semaphore(%arg21 : memref<!tpu.dma_semaphore, #tpu.memory_space<semaphore_mem>>) src(%dma_wait3A_99 : memref<2x8192xf32, #tpu.memory_space<vmem>>) dst(%dma_wait3A_95 : memref<2x8192xf32, #tpu.memory_space<hbm>>)
    return
  }
}

</mosaic_0001>

<sc_bundles>
// kernel: kernel.3.cloned.1.call-start
scs
__scs_entry_jumppad:
0x0: {  	(pc) =	sbr.rel $0x88, $3  }
0x1: {  	(tag) =	ssettag $0x0;
	lr =	simm.s32 $0x1  }
0x2: {  	[smem:$0x3F9D] =	sst lr;
	_ =	strace $0xD0000000  }
0x3: {  	_ = 	snop  }
0x4: {  	_ = 	snop  }
0x5: {  	_ = 	snop  }
0x6: {  	_ = 	snop  }
0x7: {  	_ = 	snop  }
__scs_overlays_trampoline_lowered:
0x8: {  	[smem:$0x3FAC] =	sst s0  }
0x9: {  	[smem:$0x3FAD] =	sst s1  }
0xa: {  	[smem:$0x3FAE] =	sst s2  }
0xb: {  	[smem:$0x3FAF] =	sst s3  }
0xc: {  	[smem:$0x3FB0] =	sst s4  }
0xd: {  	[smem:$0x3FB1] =	sst s5  }
0xe: {  	[smem:$0x3FB2] =	sst s6  }
0xf: {  	[smem:$0x3FB3] =	sst s7  }
0x10: {  	[smem:$0x3FB4] =	sst s8  }
0x11: {  	[smem:$0x3FB5] =	sst s9;
	s0 =	simm.s32 @!p0 $0x0  }
0x12: {  	s1 =	sld [smem:$0x3F9B];
	s0 =	simm.s32 @p0 $0x1  }
0x13: {  	[smem:$0x3FB6] =	sst s0;
	s0 =	simm.s32 @!p1 $0x0  }
0x14: {  	s2 =	sld [smem:$0x3F9A];
	s0 =	simm.s32 @p1 $0x1  }
0x15: {  	[smem:$0x3FB7] =	sst s0;
	s0 =	simm.s32 @!p2 $0x0  }
0x16: {  	s3 =	sld [smem:$0x3FDB];
	s0 =	simm.s32 @p2 $0x1  }
0x17: {  	s4 =	simm.s32 $0x1BF5;
	[smem:$0x3FB9] =	sst s0  }
0x18: {  	s0 =	sld [smem:$0x3F9C];
	_ =	swait.ge [sflag:s4], $0x0  }
0x19: {  	s7 =	sld [smem:$0x3F9D]  }
0x1a: {  	s8 =	sadd.s32 $0xFFFFE003, lr  }
0x1b: {  	s9 =	sadd.s32 $0xFFFFFEF7, lr;
	s5 =	simm.s32 $0xFFFFFFFF;
	p2 =	slt.u32 s8, $0xFFFFF086  }
0x1c: {  	p1 =	slt.u32 s9, $0xF7A;
	s5 =	simm.s32 @!p2 $0x0  }
0x1d: {  	s5 =	simm.s32 @p1 $0x1;
	p0 =	seq.s32 s7, s2  }
0x1e: {  	s7 =	smul.u32 @!p0 $0xF7A, s2;
	p2 =	seq.s32 @!p0 s5, $0x0  }
0x1f: {  	s9 =	smul.u32 $0xF7A, s1;
	s8 =	simm.s32 @!p0 $0x1BF5;
	p2 =	por !p2, p0  }
0x20: {  	[sflag:s8] =	ssyncset.s32 @!p0 $0xFFFFF086;
	s6 =	sadd.s32 @!p0 s3, s7;
	s7 =	simm.s32 @!p0 $0x108  }
0x21: {  	s3 =	sadd.s32 s3, s9;
	s6 =	sadd.s32 @!p0 $0x88, s6;
	s7 =	simm.s32 @p2 $0x1082  }
0x22: {  	[simem:s7], [sflag:s8] =	dma.local @!p0 [hbm:s6], $0xF7A  }
0x23: {  	s9 =	sor.u32 $0xD0000000, s2;
	s6 =	simm.s32 $0x108;
	_ =	swait.ge @!p0 [sflag:s8], $0x0  }
0x24: {  	s3 =	sadd.s32 $0x88, s3;
	s6 =	simm.s32 @!p1 $0x1082;
	[sflag:s4] =	ssyncset.s32 $0xFFFFF086  }
0x25: {  	[simem:s6], [sflag:s4] =	dma.local [hbm:s3], $0xF7A  }
0x26: {  	[smem:$0x3F9D] =	sst s1;
	(tag) =	ssettag s2;
	_ =	strace s9  }
0x27: {  	s1 =	sld [smem:$0x3FAD]  }
0x28: {  	s2 =	sld [smem:$0x3FAE]  }
0x29: {  	s4 =	sld [smem:$0x3FB0]  }
0x2a: {  	p0 =	seq.s32 s5, $0x0;
	s5 =	sld [smem:$0x3FB1]  }
0x2b: {  	s6 =	sld [smem:$0x3FB2]  }
0x2c: {  	s7 =	sld [smem:$0x3FB3]  }
0x2d: {  	s3 =	simm.s32 $0x108;
	s8 =	sld [smem:$0x3FB4]  }
0x2e: {  	s3 =	simm.s32 @!p0 $0x1082;
	s9 =	sld [smem:$0x3FB5]  }
0x2f: {  	lr =	sadd.s32 s0, s3;
	s0 =	sld [smem:$0x3FAC]  }
0x30: {  	s3 =	sld [smem:$0x3FAF]  }
0x31: {  	[smem:$0x3FB8] =	sst s10  }
0x32: {  	s10 =	sld [smem:$0x3FB6];
	_ =	sdelay $0x3  }
0x33: {  	p0 =	seq.s32 s10, $0x1;
	s10 =	sld [smem:$0x3FB8];
	_ =	sdelay $0x3  }
0x34: {  	[smem:$0x3FB8] =	sst s10  }
0x35: {  	s10 =	sld [smem:$0x3FB7];
	_ =	sdelay $0x3  }
0x36: {  	p1 =	seq.s32 s10, $0x1;
	s10 =	sld [smem:$0x3FB8];
	_ =	sdelay $0x3  }
0x37: {  	[smem:$0x3FB8] =	sst s10  }
0x38: {  	s10 =	sld [smem:$0x3FB9]  }
0x39: {  	_ = 	snop;
	(pc) =	sbr.ind lr, $3  }
0x3a: {  	_ = 	snop  }
0x3b: {  	_ = 	snop  }
0x3c: {  	p2 =	seq.s32 s10, $0x1;
	s10 =	sld [smem:$0x3FB8]  }
0x3d: {  	_ =	shalt  }
0x3e: {  	_ =	shalt  }
0x3f: {  	_ =	shalt  }
0x40: {  	_ =	shalt  }
0x41: {  	_ =	shalt  }
0x42: {  	_ =	shalt  }
0x43: {  	_ =	shalt  }
0x44: {  	_ =	shalt  }
0x45: {  	_ =	shalt  }
0x46: {  	_ =	shalt  }
0x47: {  	_ =	shalt  }
0x48: {  	_ =	shalt  }
0x49: {  	_ =	shalt  }
0x4a: {  	_ =	shalt  }
0x4b: {  	_ =	shalt  }
0x4c: {  	_ =	shalt  }
0x4d: {  	_ =	shalt  }
0x4e: {  	_ =	shalt  }
0x4f: {  	_ =	shalt  }
0x50: {  	_ =	shalt  }
0x51: {  	_ =	shalt  }
0x52: {  	_ =	shalt  }
0x53: {  	_ =	shalt  }
0x54: {  	_ =	shalt  }
0x55: {  	_ =	shalt  }
0x56: {  	_ =	shalt  }
0x57: {  	_ =	shalt  }
0x58: {  	_ =	shalt  }
0x59: {  	_ =	shalt  }
0x5a: {  	_ =	shalt  }
0x5b: {  	_ =	shalt  }
0x5c: {  	_ =	shalt  }
0x5d: {  	_ =	shalt  }
0x5e: {  	_ =	shalt  }
0x5f: {  	_ =	shalt  }
0x60: {  	_ =	shalt  }
0x61: {  	_ =	shalt  }
0x62: {  	_ =	shalt  }
0x63: {  	_ =	shalt  }
0x64: {  	_ =	shalt  }
0x65: {  	_ =	shalt  }
0x66: {  	_ =	shalt  }
0x67: {  	_ =	shalt  }
0x68: {  	_ =	shalt  }
0x69: {  	_ =	shalt  }
0x6a: {  	_ =	shalt  }
0x6b: {  	_ =	shalt  }
0x6c: {  	_ =	shalt  }
0x6d: {  	_ =	shalt  }
0x6e: {  	_ =	shalt  }
0x6f: {  	_ =	shalt  }
0x70: {  	_ =	shalt  }
0x71: {  	_ =	shalt  }
0x72: {  	_ =	shalt  }
0x73: {  	_ =	shalt  }
0x74: {  	_ =	shalt  }
0x75: {  	_ =	shalt  }
0x76: {  	_ =	shalt  }
0x77: {  	_ =	shalt  }
0x78: {  	_ =	shalt  }
0x79: {  	_ =	shalt  }
0x7a: {  	_ =	shalt  }
0x7b: {  	_ =	shalt  }
0x7c: {  	_ =	shalt  }
0x7d: {  	_ =	shalt  }
0x7e: {  	_ =	shalt  }
0x7f: {  	_ =	shalt  }
0x80: {  	_ =	shalt  }
0x81: {  	_ =	shalt  }
0x82: {  	_ =	shalt  }
0x83: {  	_ =	shalt  }
0x84: {  	_ =	shalt  }
0x85: {  	_ =	shalt  }
0x86: {  	_ =	shalt  }
0x87: {  	_ =	shalt  }
.Lfunc_end0:
.L_simem_size_0:
called_computation_lowered:
.L_overlay_start_0:
0x88: {  	s2 =	sld [smem:$0x3FD9]  }
0x89: {  	s3 =	sld [smem:$0x3FFE];
	_ =	sdelay $0x1  }
0x8a: {  	s1 =	srdreg.scid  }
0x8b: {  	s0 =	sand.u32 $0x1, s1  }
0x8c: {  	s17 =	sshll.u32 s0, $0xA;
	s2 =	sadd.s32 s3, s2  }
0x8d: {  	s2 =	sadd.s32 s2, s17  }
0x8e: {  	[smem:$0x3FC4] =	sst s2  }
0x8f: {  	_ = 	snop  }
0x90: {  	s2 =	sld [smem:$0x3FC8]  }
0x91: {  	s18 =	sld [smem:$0x3FC7]  }
0x92: {  	s4 =	sld [smem:$0x3FC6]  }
0x93: {  	s5 =	sld [smem:$0x3FD0];
	(tm) =	ssettm $0x1  }
0x94: {  	s6 =	sld [smem:$0x3FFB];
	_ =	sdelay $0x3  }
0x95: {  	_ =	strace s6  }
0x96: {  	s6 =	sld [smem:$0x3FFC];
	_ =	sdelay $0x3  }
0x97: {  	_ =	strace s6  }
0x98: {  	s6 =	sld [smem:$0x3FFD];
	_ =	sdelay $0x3  }
0x99: {  	_ =	strace s6  }
0x9a: {  	_ =	strace $0x8FFFFFFF  }
0x9b: {  	s19 =	sld [smem:$0x3FDB];
	_ =	sdelay $0x1  }
0x9c: {  	s7 =	simm.s32 $_scs_section_size  }
0x9d: {  	s8 =	simm.s32 $_size__tile_overlayer_lowered;
	s9 =	simm.s32 $_tile_overlayer_lowered  }
0x9e: {  	s22 =	simm.s32 $0x1BFF;
	s21 =	sshll.u32 s9, $0x1;
	s6 =	sadd.s32 s7, s19  }
0x9f: {  	s10 =	simm.s32 $0x0;
	s20 =	sshll.u32 s8, $0x1;
	s8 =	sadd.s32 s21, s6  }
0xa0: {  	[timem:s10], [sflag:s22] =	dma.local [hbm:s8], s20  }
0xa1: {  	_ =	swait.ge [sflag:s22], s20  }
0xa2: {  	s7 =	ssub.s32 $0x0, s20;
	[sflag:s22] =	ssyncset.done $0x0  }
0xa3: {  	[sflag:s22] =	ssyncadd.s32 s7;
	_ =	sdelay $0x1  }
0xa4: {  	s23 =	simm.s32 $0x1B8B  }
0xa5: {  	_ =	swait.ge [sflag:s23], $0x1  }
0xa6: {  	[sflag:s23] =	ssyncset.done $0x0  }
0xa7: {  	s25 =	simm.s32 $0x1B8E;
	s24 =	sld [smem:$0x3FFE];
	[sflag:s23] =	ssyncadd.s32 $0xFFFFFFFF  }
0xa8: {  	s26 =	simm.s32 $execute0_lowered;
	[smem:$0x3FD2] =	sst s25  }
0xa9: {  	s8 =	sshll.u32 s26, $0x1;
	_ =	strace $0x80000046;
	[dreg:$0x1] =	wrdreg $0xFFFFFFFF  }
0xaa: {  	s28 =	simm.s32 $_size_execute0_lowered;
	s6 =	sadd.s32 s6, s8;
	[dreg:$0x0] =	wrdreg $0x0  }
0xab: {  	s8 =	sshll.u32 s28, $0x1;
	[dreg:$0x2] =	wrdreg s6  }
0xac: {  	[dreg:$0x3] =	wrdreg s8  }
0xad: {  	[dreg:$0x4] =	wrdreg $0xC0  }
0xae: {  	_ =	task [dreg:s10], $0x5FFFF  }
0xaf: {  	[dreg:$0x1] =	wrdreg $0xFFFFFFFF  }
0xb0: {  	[dreg:$0x0] =	wrdreg $0x60  }
0xb1: {  	[dreg:$0x2] =	wrdreg s24  }
0xb2: {  	[dreg:$0x3] =	wrdreg s2  }
0xb3: {  	[dreg:$0x4] =	wrdreg s18  }
0xb4: {  	[dreg:$0x5] =	wrdreg s4  }
0xb5: {  	[dreg:$0x6] =	wrdreg s5  }
0xb6: {  	[dreg:$0x7] =	wrdreg $0x9  }
0xb7: {  	_ =	task.clear_ibuf [dreg:s10], $0x8FFFF;
	_ =	strace $0x90000046  }
0xb8: {  	s29 =	simm.s32 $0x9;
	_ =	strace $0x80000048  }
0xb9: {  	_ =	swait.ge [sflag:s29], $0x1  }
0xba: {  	[sflag:s29] =	ssyncadd.s32 $0xFFFFFFFF  }
0xbb: {  	_ =	strace $0x90000048  }
0xbc: {  	_ =	sfence  }
0xbd: {  	s30 =	sld [smem:$0x0];
	_ =	sdelay $0x2  }
0xbe: {  	s31 =	sshll.u32 s1, $0xD;
	s1 =	sshrl.u32 s1, $0x2  }
0xbf: {  	s3 =	sand.u32 $0x4000, s31;
	s1 =	sadd.s32 s1, s30  }
0xc0: {  	s0 =	sor.u32 s3, s0;
	s1 =	sshll.u32 s1, $0x11  }
0xc1: {  	s0 =	sor.u32 s1, s0  }
0xc2: {  	s0 =	sadd.s32 $0x8F2B, s0  }
0xc3: {  	[sflag:s0] =	ssyncadd.remote.s32 $0x1  }
0xc4: {  	_ =	sfence.sel $0xFFFF  }
0xc5: {  	[dreg:$0x0] =	wrdreg $0xFFFFFFFF;
	(pc) =	sbr.abs _section_cstart, $3  }
0xc6: {  	[dreg:$0x1] =	wrdreg $0xFFFFFFFF  }
0xc7: {  	_ =	task.clear_ibuf [dreg:s10], $0x2FFFF;
	_ =	strace $0x9FFFFFFF  }
0xc8: {  	(tm) =	ssettm $0x7FFFFFFF  }
0xc9: {  	_ =	shalt  }
tec
execute0_lowered:
.L_overlay_start_1:
0x0: {  	(tag) =	ssettag $0x1  }
0x1: {  	s0 =	rddreg [dreg:$0x0]  }
0x2: {  	s4 =	rddreg [dreg:$0x1]  }
0x3: {  	s5 =	rddreg [dreg:$0x2]  }
0x4: {  	s1 =	srdreg.scid;
	s7 =	rddreg [dreg:$0x3]  }
0x5: {  	s2 =	stileid.u32;
	s14 =	rddreg [dreg:$0x4];
	s6 =	simm.s32 $0x0  }
0x6: {  	s9 =	simm.s32 $0x180;
	s10 =	simm.s32 $0x4780;
	s8 =	simm.s32 $0x0  }
0x7: {  	s1 =	sand.u32 $0x1, s1;
	s2 =	sshll.u32 s2, $0x8;
	[smem:$0x7FF] =	sst s6  }
0x8: {  	s18 =	sadd.s32 $0x400, s4;
	s19 =	sadd.s32 $0x800, s4;
	s20 =	sadd.s32 $0xC00, s4  }
0x9: {  	s21 =	sadd.s32 $0x1000, s4;
	_ =	strace $0x80000047;
	[dreg:$0x9] =	wrdreg s18  }
0xa: {  	s22 =	sadd.s32 $0x1400, s4;
	s23 =	sadd.s32 $0x1800, s4;
	[dreg:$0xa] =	wrdreg s19  }
0xb: {  	s24 =	sadd.s32 $0x1C00, s4;
	s28 =	sadd.s32 $0x800, s7;
	[dreg:$0xb] =	wrdreg s20  }
0xc: {  	s29 =	sadd.s32 $0xC00, s7;
	s30 =	sadd.s32 $0x1000, s7;
	[dreg:$0xc] =	wrdreg s21  }
0xd: {  	s31 =	sadd.s32 $0x1400, s7;
	s4 =	simm.s32 $0x1;
	[dreg:$0xd] =	wrdreg s22  }
0xe: {  	s3 =	sshll.u32 s1, $0x7;
	s1 =	ssub.s32 $0x2, s1;
	[dreg:$0xe] =	wrdreg s23  }
0xf: {  	[dreg:$0xf] =	wrdreg s24;
	s18 =	sadd.s32 $0x800, s5;
	s19 =	sadd.s32 $0xC00, s5  }
0x10: {  	s20 =	sadd.s32 $0x1000, s5;
	s21 =	sadd.s32 $0x1400, s5;
	s22 =	sadd.s32 $0x1800, s5  }
0x11: {  	s23 =	sadd.s32 $0x1C00, s5;
	s2 =	sor.u32 s3, s2;
	s15 =	sshrl.u32 s1, $0x1  }
0x12: {  	v0 =	vimm.s32 $0x29282120;
	v1 =	vimm.s32 $0x39383130;
	s3 =	sshrl.u32 s2, $0x3;
	s1 =	ssub.s32 s1, s15;
	s25 =	sshll.u32 s2, $0xA  }
0x13: {  	v2 =	vimm.s32 $0x9080100;
	v3 =	vimm.s32 $0x19181110;
	v0 =	vunpack.c.0.s8.s32 v0;
	s0 =	sadd.s32 s3, s0;
	[dreg:$0x10] =	wrdreg s25;
	s26 =	smax.u32 s1, $0x1  }
0x14: {  	v1 =	vunpack.c.0.s8.s32 v1;
	v2 =	vunpack.c.0.s8.s32 v2;
	v3 =	vunpack.c.0.s8.s32 v3;
	s15 =	simm.s32 $0x100;
	s16 =	sadd.s32 $0x600, s0;
	[dreg:$0x11] =	wrdreg s26  }
0x15: {  	vm0 =	vcmask $0x1F10;
	s3 =	sadd.s32 $0x1800, s7;
	s17 =	sadd.s32 $0x800, s0;
	[dreg:$0x6] =	wrdreg s16  }
0x16: {  	v0 =	vsel vm0, v1, v0;
	v1 =	vsel vm0, v3, v2;
	v2 =	vlaneseq.u32;
	s25 =	simm.s32 $0x380;
	s0 =	sadd.s32 $0xA00, s0;
	[dreg:$0x7] =	wrdreg s17  }
0x17: {  	vm0 =	vmmov $0xffff;
	v3 =	vshrl.u32 v2, $0x1;
	s26 =	sadd.s32 $0x400, s7;
	[dreg:$0x8] =	wrdreg s0;
	s17 =	sadd.s32 $0x400, s5  }
0x18: {  	v0 =	vcombine.low v1, v0;
	v1 =	vand.u32 $0x1, v2;
	v2 =	vmul.u32 $0x8, v3;
	s0 =	sadd.s32 $0x1C00, s7;
	s7 =	simm.s32 $0x580;
	s5 =	simm.s32 $0x2  }
.LBB2_1:
0x19: {  	[dreg:$0x12] =	wrdreg s8  }
0x1a: {  	s1 =	rddreg [dreg:$0x6];
	s2 =	simm.s32 $0x5  }
0x1b: {  	[tilespmem:s6], [sflag:$0x5] =	stream.linear.gather [hbm4b:s1+s6], $0x80, $0x38;
	[tilespmem:$0x18780] =	vst v63  }
0x1c: {  	_ =	swait.ge [sflag:s2], $0x80  }
0x1d: {  	[sflag:s2] =	ssyncset.done $0x0  }
0x1e: {  	s16 =	simm.s32 $0x80;
	s13 =	rddreg [dreg:$0x7];
	[sflag:s2] =	ssyncadd.s32 $0xFFFFFF80  }
0x1f: {  	[tilespmem:s16], [sflag:$0x5] =	stream.linear.gather [hbm4b:s13+s6], $0x80, $0x38;
	[tilespmem:$0x18780] =	vst v63  }
0x20: {  	_ =	swait.ge [sflag:s2], $0x80  }
0x21: {  	[sflag:s2] =	ssyncset.done $0x0  }
0x22: {  	s24 =	rddreg [dreg:$0x8];
	[sflag:s2] =	ssyncadd.s32 $0xFFFFFF80  }
0x23: {  	[tilespmem:s15], [sflag:$0x5] =	stream.linear.gather [hbm4b:s24+s6], $0x80, $0x38;
	[tilespmem:$0x18780] =	vst v63  }
0x24: {  	_ =	swait.ge [sflag:s2], $0x80  }
0x25: {  	[sflag:s2] =	ssyncset.done $0x0  }
0x26: {  	s8 =	simm.s32 $0x0;
	[sflag:s2] =	ssyncadd.s32 $0xFFFFFF80  }
0x27: {  	s1 =	simm.s32 $0x0;
	s2 =	simm.s32 $0x40;
	v3 =	vld [tilespmem:s8+$0x80]  }
.LBB2_2:
0x28: {  	p0 =	sne.s32 s2, $0x1C0;
	v4 =	vld [tilespmem:s8+$0x0]  }
0x29: {  	v5 =	vld [tilespmem:s8+$0x100];
	_ =	sdelay $0x1  }
0x2a: {  	v6 =	vor.u32 s1, v0;
	s1 =	smov.u32 s2;
	_ =	sdelay $0x1  }
0x2b: {  	v3 =	vmul.u32 $0x6A37, v3;
	v7 =	vmul.u32 $0x8DD9, v4  }
0x2c: {  	v5 =	vmul.u32 $0x929, v5  }
.Ltmp0:
0x2d: {  	v3 =	vadd.s32 v7, v3;
	(pc) =	sbr.rel @p0 .LBB2_2-.Ltmp0, $4  }
0x2e: {  	v7 =	vand.u32 $0x3FFF, v3;
	v3 =	vadd.s32 v5, v3;
	[tilespmem:v6+s9+$0x0] =	vst.idx.msk $0xffff, v4  }
0x2f: {  	v3 =	vand.u32 $0x3FFF, v3;
	[tilespmem:v6+s25+$0x0] =	vst.idx.msk $0xffff, v7  }
0x30: {  	s8 =	sshra.s32 s2, $0x2;
	[tilespmem:v6+s7+$0x0] =	vst.idx.msk $0xffff, v3  }
0x31: {  	s2 =	sadd.s32 $0x40, s2;
	v3 =	vld [tilespmem:s8+$0x80]  }
0x32: {  	v4 =	vld [tilespmem:s8+$0x0]  }
0x33: {  	v5 =	vld [tilespmem:s8+$0x100];
	_ =	sdelay $0x1  }
0x34: {  	v6 =	vor.u32 s1, v0;
	_ =	sdelay $0x1  }
0x35: {  	v3 =	vmul.u32 $0x6A37, v3;
	v7 =	vmul.u32 $0x8DD9, v4  }
0x36: {  	v5 =	vmul.u32 $0x929, v5  }
0x37: {  	v3 =	vadd.s32 v7, v3  }
0x38: {  	[tilespmem:v6+s9+$0x0] =	vst.idx.msk $0xffff, v4;
	v7 =	vand.u32 $0x3FFF, v3;
	v3 =	vadd.s32 v5, v3  }
0x39: {  	v3 =	vand.u32 $0x3FFF, v3;
	[tilespmem:v6+s25+$0x0] =	vst.idx.msk $0xffff, v7  }
0x3a: {  	[tilespmem:v6+s7+$0x0] =	vst.idx.msk $0xffff, v3  }
0x3b: {  	v3 =	vld.msk [tilespmem:$0x180], $0x3;
	_ =	sdelay $0x4  }
0x3c: {  	v61 =	vshll.u32 v3, $0x6  }
0x3d: {  	v3 =	vand.u32 $0x7, v3;
	v4 =	vand.u32 $0xFFFFFE00, v61  }
0x3e: {  	v3 =	vor.u32 v3, v4  }
0x3f: {  	v3 =	vperm.xlane v3, v1;
	_ =	sdelay $0x1  }
0x40: {  	v3 =	vadd.s32 v2, v3;
	_ =	sdelay $0x3  }
0x41: {  	s24 =	simm.s32 $0x0;
	s16 =	rddreg [dreg:$0x1];
	s2 =	simm.s32 $0x780  }
0x42: {  	[tilespmem:s2], [sflag:$0x1] =	stream.indirect_vreg.gather [hbm4b:s16+s24], $0x80, v3, vm0, $0xb8;
	[tilespmem:$0x18780] =	vst v63  }
0x43: {  	s8 =	rddreg [dreg:$0x9];
	s11 =	simm.s32 $0xF80  }
0x44: {  	[tilespmem:s11], [sflag:$0x1] =	stream.indirect_vreg.gather [hbm4b:s8+s24], $0x80, v3, vm0, $0xb8;
	[tilespmem:$0x18780] =	vst v63  }
0x45: {  	s12 =	rddreg [dreg:$0xa];
	s13 =	simm.s32 $0x1780  }
0x46: {  	[tilespmem:s13], [sflag:$0x1] =	stream.indirect_vreg.gather [hbm4b:s12+s24], $0x80, v3, vm0, $0xb8;
	[tilespmem:$0x18780] =	vst v63  }
0x47: {  	s15 =	rddreg [dreg:$0xb];
	s16 =	simm.s32 $0x1F80  }
0x48: {  	[tilespmem:s16], [sflag:$0x1] =	stream.indirect_vreg.gather [hbm4b:s15+s24], $0x80, v3, vm0, $0xb8;
	[tilespmem:$0x18780] =	vst v63  }
0x49: {  	s8 =	rddreg [dreg:$0xc];
	s11 =	simm.s32 $0x2780  }
0x4a: {  	[tilespmem:s11], [sflag:$0x1] =	stream.indirect_vreg.gather [hbm4b:s8+s24], $0x80, v3, vm0, $0xb8;
	[tilespmem:$0x18780] =	vst v63  }
0x4b: {  	s12 =	rddreg [dreg:$0xd];
	s13 =	simm.s32 $0x2F80  }
0x4c: {  	[tilespmem:s13], [sflag:$0x1] =	stream.indirect_vreg.gather [hbm4b:s12+s24], $0x80, v3, vm0, $0xb8;
	[tilespmem:$0x18780] =	vst v63  }
0x4d: {  	s15 =	rddreg [dreg:$0xe];
	s16 =	simm.s32 $0x3780  }
0x4e: {  	[tilespmem:s16], [sflag:$0x1] =	stream.indirect_vreg.gather [hbm4b:s15+s24], $0x80, v3, vm0, $0xb8;
	[tilespmem:$0x18780] =	vst v63  }
0x4f: {  	s8 =	rddreg [dreg:$0xf];
	s11 =	simm.s32 $0x3F80  }
0x50: {  	[tilespmem:s11], [sflag:$0x1] =	stream.indirect_vreg.gather [hbm4b:s8+s24], $0x80, v3, vm0, $0xb8;
	[tilespmem:$0x18780] =	vst v63  }
0x51: {  	v3 =	vld.msk [tilespmem:$0x380], $0x3;
	_ =	sdelay $0x4  }
0x52: {  	v62 =	vshll.u32 v3, $0x6  }
0x53: {  	v3 =	vand.u32 $0x7, v3;
	v4 =	vand.u32 $0xFFFFFE00, v62  }
0x54: {  	v3 =	vor.u32 v3, v4  }
0x55: {  	v3 =	vperm.xlane v3, v1;
	_ =	sdelay $0x1  }
0x56: {  	v3 =	vadd.s32 v2, v3;
	_ =	sdelay $0x3  }
0x57: {  	s12 =	rddreg [dreg:$0x2];
	s13 =	simm.s32 $0x8780  }
0x58: {  	[tilespmem:s13], [sflag:$0x1] =	stream.indirect_vreg.gather [hbm4b:s12+s24], $0x80, v3, vm0, $0xb8;
	[tilespmem:$0x18780] =	vst v63  }
0x59: {  	s15 =	simm.s32 $0x8F80  }
0x5a: {  	[tilespmem:s15], [sflag:$0x1] =	stream.indirect_vreg.gather [hbm4b:s17+s24], $0x80, v3, vm0, $0xb8;
	[tilespmem:$0x18780] =	vst v63  }
0x5b: {  	s16 =	simm.s32 $0x9780  }
0x5c: {  	[tilespmem:s16], [sflag:$0x1] =	stream.indirect_vreg.gather [hbm4b:s18+s24], $0x80, v3, vm0, $0xb8;
	[tilespmem:$0x18780] =	vst v63  }
0x5d: {  	s2 =	simm.s32 $0x9F80  }
0x5e: {  	[tilespmem:s2], [sflag:$0x1] =	stream.indirect_vreg.gather [hbm4b:s19+s24], $0x80, v3, vm0, $0xb8;
	[tilespmem:$0x18780] =	vst v63  }
0x5f: {  	s8 =	simm.s32 $0xA780  }
0x60: {  	[tilespmem:s8], [sflag:$0x1] =	stream.indirect_vreg.gather [hbm4b:s20+s24], $0x80, v3, vm0, $0xb8;
	[tilespmem:$0x18780] =	vst v63  }
0x61: {  	s11 =	simm.s32 $0xAF80  }
0x62: {  	[tilespmem:s11], [sflag:$0x1] =	stream.indirect_vreg.gather [hbm4b:s21+s24], $0x80, v3, vm0, $0xb8;
	[tilespmem:$0x18780] =	vst v63  }
0x63: {  	s12 =	simm.s32 $0xB780  }
0x64: {  	[tilespmem:s12], [sflag:$0x1] =	stream.indirect_vreg.gather [hbm4b:s22+s24], $0x80, v3, vm0, $0xb8;
	[tilespmem:$0x18780] =	vst v63  }
0x65: {  	s13 =	simm.s32 $0xBF80  }
0x66: {  	[tilespmem:s13], [sflag:$0x1] =	stream.indirect_vreg.gather [hbm4b:s23+s24], $0x80, v3, vm0, $0xb8;
	[tilespmem:$0x18780] =	vst v63  }
0x67: {  	v3 =	vld.msk [tilespmem:$0x580], $0x3;
	_ =	sdelay $0x4  }
0x68: {  	v63 =	vshll.u32 v3, $0x6  }
0x69: {  	v3 =	vand.u32 $0x7, v3;
	v4 =	vand.u32 $0xFFFFFE00, v63  }
0x6a: {  	v3 =	vor.u32 v3, v4  }
0x6b: {  	v3 =	vperm.xlane v3, v1;
	_ =	sdelay $0x1  }
0x6c: {  	v3 =	vadd.s32 v2, v3;
	_ =	sdelay $0x3  }
0x6d: {  	s15 =	rddreg [dreg:$0x3];
	s16 =	simm.s32 $0x10780  }
0x6e: {  	[tilespmem:s16], [sflag:$0x1] =	stream.indirect_vreg.gather [hbm4b:s15+s24], $0x80, v3, vm0, $0xb8;
	[tilespmem:$0x18780] =	vst v63  }
0x6f: {  	s2 =	simm.s32 $0x10F80  }
0x70: {  	[tilespmem:s2], [sflag:$0x1] =	stream.indirect_vreg.gather [hbm4b:s26+s24], $0x80, v3, vm0, $0xb8;
	[tilespmem:$0x18780] =	vst v63  }
0x71: {  	s8 =	simm.s32 $0x11780  }
0x72: {  	[tilespmem:s8], [sflag:$0x1] =	stream.indirect_vreg.gather [hbm4b:s28+s24], $0x80, v3, vm0, $0xb8;
	[tilespmem:$0x18780] =	vst v63  }
0x73: {  	s11 =	simm.s32 $0x11F80  }
0x74: {  	[tilespmem:s11], [sflag:$0x1] =	stream.indirect_vreg.gather [hbm4b:s29+s24], $0x80, v3, vm0, $0xb8;
	[tilespmem:$0x18780] =	vst v63  }
0x75: {  	s12 =	simm.s32 $0x12780  }
0x76: {  	[tilespmem:s12], [sflag:$0x1] =	stream.indirect_vreg.gather [hbm4b:s30+s24], $0x80, v3, vm0, $0xb8;
	[tilespmem:$0x18780] =	vst v63  }
0x77: {  	s13 =	simm.s32 $0x12F80  }
0x78: {  	[tilespmem:s13], [sflag:$0x1] =	stream.indirect_vreg.gather [hbm4b:s31+s24], $0x80, v3, vm0, $0xb8;
	[tilespmem:$0x18780] =	vst v63  }
0x79: {  	s15 =	simm.s32 $0x13780  }
0x7a: {  	[tilespmem:s15], [sflag:$0x1] =	stream.indirect_vreg.gather [hbm4b:s3+s24], $0x80, v3, vm0, $0xb8;
	[tilespmem:$0x18780] =	vst v63  }
0x7b: {  	s16 =	simm.s32 $0x13F80  }
0x7c: {  	[tilespmem:s16], [sflag:$0x1] =	stream.indirect_vreg.gather [hbm4b:s0+s24], $0x80, v3, vm0, $0xb8;
	[tilespmem:$0x18780] =	vst v63  }
.LBB2_4:
0x7d: {  	s8 =	sshllo.u32 s24, $0x1  }
0x7e: {  	s1 =	sshll.u32 s8, $0x3  }
0x7f: {  	v3 =	vld.msk [tilespmem:s1+$0x180], $0x3;
	_ =	sdelay $0x4  }
0x80: {  	v4 =	vshll.u32 v3, $0x6  }
0x81: {  	v3 =	vand.u32 $0x7, v3;
	v4 =	vand.u32 $0xFFFFFE00, v4  }
0x82: {  	v3 =	vor.u32 v3, v4  }
0x83: {  	v3 =	vperm.xlane v3, v1;
	_ =	sdelay $0x1  }
0x84: {  	v3 =	vadd.s32 v2, v3;
	_ =	sdelay $0x3  }
0x85: {  	s2 =	rddreg [dreg:$0x1]  }
0x86: {  	[tilespmem:s10], [sflag:$0x2] =	stream.indirect_vreg.gather [hbm4b:s2+s6], $0x80, v3, vm0, $0xb8;
	[tilespmem:$0x18780] =	vst v63  }
0x87: {  	s16 =	smov.u32 s14;
	s14 =	rddreg [dreg:$0x9];
	s15 =	simm.s32 $0x4F80  }
0x88: {  	[tilespmem:s15], [sflag:$0x2] =	stream.indirect_vreg.gather [hbm4b:s14+s6], $0x80, v3, vm0, $0xb8;
	[tilespmem:$0x18780] =	vst v63  }
0x89: {  	s11 =	simm.s32 $0x5780;
	s10 =	rddreg [dreg:$0xa]  }
0x8a: {  	[tilespmem:s11], [sflag:$0x2] =	stream.indirect_vreg.gather [hbm4b:s10+s6], $0x80, v3, vm0, $0xb8;
	[tilespmem:$0x18780] =	vst v63  }
0x8b: {  	s12 =	rddreg [dreg:$0xb];
	s13 =	simm.s32 $0x5F80  }
0x8c: {  	[tilespmem:s13], [sflag:$0x2] =	stream.indirect_vreg.gather [hbm4b:s12+s6], $0x80, v3, vm0, $0xb8;
	[tilespmem:$0x18780] =	vst v63  }
0x8d: {  	s14 =	rddreg [dreg:$0xc];
	s15 =	simm.s32 $0x6780  }
0x8e: {  	[tilespmem:s15], [sflag:$0x2] =	stream.indirect_vreg.gather [hbm4b:s14+s6], $0x80, v3, vm0, $0xb8;
	[tilespmem:$0x18780] =	vst v63  }
0x8f: {  	s10 =	rddreg [dreg:$0xd];
	s11 =	simm.s32 $0x6F80  }
0x90: {  	[tilespmem:s11], [sflag:$0x2] =	stream.indirect_vreg.gather [hbm4b:s10+s6], $0x80, v3, vm0, $0xb8;
	[tilespmem:$0x18780] =	vst v63  }
0x91: {  	s12 =	rddreg [dreg:$0xe];
	s13 =	simm.s32 $0x7780  }
0x92: {  	[tilespmem:s13], [sflag:$0x2] =	stream.indirect_vreg.gather [hbm4b:s12+s6], $0x80, v3, vm0, $0xb8;
	[tilespmem:$0x18780] =	vst v63  }
0x93: {  	s14 =	rddreg [dreg:$0xf];
	s15 =	simm.s32 $0x7F80  }
0x94: {  	[tilespmem:s15], [sflag:$0x2] =	stream.indirect_vreg.gather [hbm4b:s14+s6], $0x80, v3, vm0, $0xb8;
	[tilespmem:$0x18780] =	vst v63  }
0x95: {  	v3 =	vld.msk [tilespmem:s1+$0x380], $0x3;
	_ =	sdelay $0x4  }
0x96: {  	v4 =	vshll.u32 v3, $0x6  }
0x97: {  	v3 =	vand.u32 $0x7, v3;
	v4 =	vand.u32 $0xFFFFFE00, v4  }
0x98: {  	v3 =	vor.u32 v3, v4  }
0x99: {  	v3 =	vperm.xlane v3, v1;
	_ =	sdelay $0x1  }
0x9a: {  	v3 =	vadd.s32 v2, v3;
	_ =	sdelay $0x3  }
0x9b: {  	s11 =	rddreg [dreg:$0x2];
	s12 =	simm.s32 $0xC780  }
0x9c: {  	[tilespmem:s12], [sflag:$0x2] =	stream.indirect_vreg.gather [hbm4b:s11+s6], $0x80, v3, vm0, $0xb8;
	[tilespmem:$0x18780] =	vst v63  }
0x9d: {  	s13 =	simm.s32 $0xCF80  }
0x9e: {  	[tilespmem:s13], [sflag:$0x2] =	stream.indirect_vreg.gather [hbm4b:s17+s6], $0x80, v3, vm0, $0xb8;
	[tilespmem:$0x18780] =	vst v63  }
0x9f: {  	s14 =	simm.s32 $0xD780  }
0xa0: {  	[tilespmem:s14], [sflag:$0x2] =	stream.indirect_vreg.gather [hbm4b:s18+s6], $0x80, v3, vm0, $0xb8;
	[tilespmem:$0x18780] =	vst v63  }
0xa1: {  	s15 =	simm.s32 $0xDF80  }
0xa2: {  	[tilespmem:s15], [sflag:$0x2] =	stream.indirect_vreg.gather [hbm4b:s19+s6], $0x80, v3, vm0, $0xb8;
	[tilespmem:$0x18780] =	vst v63  }
0xa3: {  	s10 =	simm.s32 $0xE780  }
0xa4: {  	[tilespmem:s10], [sflag:$0x2] =	stream.indirect_vreg.gather [hbm4b:s20+s6], $0x80, v3, vm0, $0xb8;
	[tilespmem:$0x18780] =	vst v63  }
0xa5: {  	s11 =	simm.s32 $0xEF80  }
0xa6: {  	[tilespmem:s11], [sflag:$0x2] =	stream.indirect_vreg.gather [hbm4b:s21+s6], $0x80, v3, vm0, $0xb8;
	[tilespmem:$0x18780] =	vst v63  }
0xa7: {  	s12 =	simm.s32 $0xF780  }
0xa8: {  	[tilespmem:s12], [sflag:$0x2] =	stream.indirect_vreg.gather [hbm4b:s22+s6], $0x80, v3, vm0, $0xb8;
	[tilespmem:$0x18780] =	vst v63  }
0xa9: {  	s13 =	simm.s32 $0xFF80  }
0xaa: {  	[tilespmem:s13], [sflag:$0x2] =	stream.indirect_vreg.gather [hbm4b:s23+s6], $0x80, v3, vm0, $0xb8;
	[tilespmem:$0x18780] =	vst v63  }
0xab: {  	v3 =	vld.msk [tilespmem:s1+$0x580], $0x3;
	_ =	sdelay $0x4  }
0xac: {  	v4 =	vshll.u32 v3, $0x6  }
0xad: {  	v3 =	vand.u32 $0x7, v3;
	v4 =	vand.u32 $0xFFFFFE00, v4  }
0xae: {  	v3 =	vor.u32 v3, v4  }
0xaf: {  	v3 =	vperm.xlane v3, v1;
	_ =	sdelay $0x1  }
0xb0: {  	v3 =	vadd.s32 v2, v3;
	_ =	sdelay $0x3  }
0xb1: {  	s14 =	rddreg [dreg:$0x3];
	s15 =	simm.s32 $0x14780  }
0xb2: {  	[tilespmem:s15], [sflag:$0x2] =	stream.indirect_vreg.gather [hbm4b:s14+s6], $0x80, v3, vm0, $0xb8;
	[tilespmem:$0x18780] =	vst v63  }
0xb3: {  	s2 =	simm.s32 $0x14F80  }
0xb4: {  	[tilespmem:s2], [sflag:$0x2] =	stream.indirect_vreg.gather [hbm4b:s26+s6], $0x80, v3, vm0, $0xb8;
	[tilespmem:$0x18780] =	vst v63  }
0xb5: {  	s10 =	simm.s32 $0x15780  }
0xb6: {  	[tilespmem:s10], [sflag:$0x2] =	stream.indirect_vreg.gather [hbm4b:s28+s6], $0x80, v3, vm0, $0xb8;
	[tilespmem:$0x18780] =	vst v63  }
0xb7: {  	s11 =	simm.s32 $0x15F80  }
0xb8: {  	[tilespmem:s11], [sflag:$0x2] =	stream.indirect_vreg.gather [hbm4b:s29+s6], $0x80, v3, vm0, $0xb8;
	[tilespmem:$0x18780] =	vst v63  }
0xb9: {  	s12 =	simm.s32 $0x16780  }
0xba: {  	[tilespmem:s12], [sflag:$0x2] =	stream.indirect_vreg.gather [hbm4b:s30+s6], $0x80, v3, vm0, $0xb8;
	[tilespmem:$0x18780] =	vst v63  }
0xbb: {  	s13 =	simm.s32 $0x16F80  }
0xbc: {  	[tilespmem:s13], [sflag:$0x2] =	stream.indirect_vreg.gather [hbm4b:s31+s6], $0x80, v3, vm0, $0xb8;
	[tilespmem:$0x18780] =	vst v63  }
0xbd: {  	s14 =	simm.s32 $0x17780  }
0xbe: {  	[tilespmem:s14], [sflag:$0x2] =	stream.indirect_vreg.gather [hbm4b:s3+s6], $0x80, v3, vm0, $0xb8;
	[tilespmem:$0x18780] =	vst v63  }
0xbf: {  	s15 =	simm.s32 $0x17F80  }
0xc0: {  	[tilespmem:s15], [sflag:$0x2] =	stream.indirect_vreg.gather [hbm4b:s0+s6], $0x80, v3, vm0, $0xb8;
	[tilespmem:$0x18780] =	vst v63  }
0xc1: {  	_ =	swait.ge [sflag:s4], $0x4000  }
0xc2: {  	[sflag:s4] =	ssyncset.done $0x0  }
0xc3: {  	[sflag:s4] =	ssyncadd.s32 $0xFFFFC000  }
0xc4: {  	_ =	swait.ge [sflag:s4], $0x4000  }
0xc5: {  	[sflag:s4] =	ssyncset.done $0x0  }
0xc6: {  	[sflag:s4] =	ssyncadd.s32 $0xFFFFC000  }
0xc7: {  	_ =	swait.ge [sflag:s4], $0x4000  }
0xc8: {  	p0 =	seq.s32 s24, $0x0;
	[sflag:s4] =	ssyncset.done $0x0  }
0xc9: {  	s1 =	simm.s32 @!p0 $0x3;
	[sflag:s4] =	ssyncadd.s32 $0xFFFFC000  }
0xca: {  	_ =	swait.ge @!p0 [sflag:s1], $0x4000  }
0xcb: {  	[sflag:s1] =	ssyncset.done @!p0 $0x0  }
0xcc: {  	s11 =	simm.s32 $0x7C0;
	[sflag:s1] =	ssyncadd.s32 @!p0 $0xFFFFC000  }
0xcd: {  	s12 =	simm.s32 $0x87C0;
	v3 =	vld [tilespmem:s11+$0x30]  }
0xce: {  	v4 =	vld [tilespmem:s12+$0x30]  }
0xcf: {  	s13 =	simm.s32 $0x107C0;
	v5 =	vld [tilespmem:s12+$0xFFFFFFC0]  }
0xd0: {  	v6 =	vld [tilespmem:s13+$0x30]  }
0xd1: {  	v7 =	vld [tilespmem:s11+$0xFFFFFFD0]  }
0xd2: {  	v8 =	vld [tilespmem:s12+$0xFFFFFFD0]  }
0xd3: {  	v9 =	vld [tilespmem:s11+$0xFFFFFFE0]  }
0xd4: {  	v10 =	vld [tilespmem:s12+$0xFFFFFFE0]  }
0xd5: {  	v11 =	vld [tilespmem:s11+$0xFFFFFFF0]  }
0xd6: {  	v12 =	vld [tilespmem:s12+$0xFFFFFFF0]  }
0xd7: {  	v13 =	vld [tilespmem:s11+$0x0]  }
0xd8: {  	v14 =	vld [tilespmem:s12+$0x0]  }
0xd9: {  	v15 =	vld [tilespmem:s11+$0x10]  }
0xda: {  	v16 =	vld [tilespmem:s12+$0x10];
	v3 =	vmul.f32 $3.000000120e-01, v3  }
0xdb: {  	v18 =	vld [tilespmem:s12+$0x20];
	v4 =	vmul.f32 $1.500000060e-01, v4;
	v17 =	vmul.f32 $1.500000060e-01, v5  }
0xdc: {  	v19 =	vld [tilespmem:s11+$0xFFFFFFC0];
	v6 =	vmul.f32 $1.000000010e-01, v6;
	v7 =	vmul.f32 $3.000000120e-01, v7  }
0xdd: {  	v5 =	vld [tilespmem:s11+$0x20];
	v3 =	vadd.f32 v4, v3;
	v4 =	vmul.f32 $1.500000060e-01, v8;
	v8 =	vmul.f32 $3.000000120e-01, v9  }
0xde: {  	v9 =	vmul.f32 $1.500000060e-01, v10;
	v10 =	vmul.f32 $3.000000120e-01, v11;
	v11 =	vld [tilespmem:s13+$0xFFFFFFC0]  }
0xdf: {  	v21 =	vld [tilespmem:s13+$0xFFFFFFD0];
	v13 =	vmul.f32 $3.000000120e-01, v13;
	v20 =	vadd.f32 v6, v3;
	v6 =	vmul.f32 $1.500000060e-01, v12  }
0xe0: {  	v3 =	vadd.f32 v4, v7;
	v7 =	vmul.f32 $1.500000060e-01, v14;
	v14 =	vmul.f32 $3.000000120e-01, v15;
	v12 =	vld [tilespmem:s13+$0xFFFFFFE0]  }
0xe1: {  	v4 =	vadd.f32 v9, v8;
	v8 =	vmul.f32 $1.500000060e-01, v16;
	v9 =	vld [tilespmem:s13+$0xFFFFFFF0];
	v16 =	vmul.f32 $1.500000060e-01, v18  }
0xe2: {  	v18 =	vmul.f32 $3.000000120e-01, v19;
	v15 =	vmul.f32 $3.000000120e-01, v5;
	v5 =	vadd.f32 v6, v10;
	v10 =	vld [tilespmem:s13+$0x0]  }
0xe3: {  	s2 =	simm.s32 $0x10870;
	s10 =	simm.s32 $0x8870;
	v6 =	vadd.f32 v7, v13;
	v7 =	vadd.f32 v8, v14;
	v14 =	vmul.f32 $1.000000010e-01, v11;
	v11 =	vld [tilespmem:s13+$0x10]  }
0xe4: {  	s14 =	simm.s32 $0x0;
	s15 =	simm.s32 $0x8C0;
	s1 =	simm.s32 $0x870;
	[tilespmem:s11+$0x30] =	vst v20;
	v13 =	vld [tilespmem:s13+$0x20];
	v8 =	vadd.f32 v16, v15;
	v15 =	vadd.f32 v17, v18;
	v16 =	vmul.f32 $1.000000010e-01, v21  }
.LBB2_5:
0xe5: {  	v17 =	vld [tilespmem:s15+$0x30];
	v12 =	vmul.f32 $1.000000010e-01, v12;
	s12 =	sadd.s32 $0x100, s12  }
0xe6: {  	s14 =	sadd.s32 $0x80, s14;
	v18 =	vld [tilespmem:s12+$0x30];
	v14 =	vadd.f32 v14, v15;
	v3 =	vadd.f32 v16, v3;
	v9 =	vmul.f32 $1.000000010e-01, v9  }
0xe7: {  	s13 =	sadd.s32 $0x100, s13;
	p1 =	slt.u32 s14, $0x1F80;
	v15 =	vld [tilespmem:s12+$0xFFFFFFC0];
	v4 =	vadd.f32 v12, v4;
	v10 =	vmul.f32 $1.000000010e-01, v10  }
0xe8: {  	v12 =	vld [tilespmem:s13+$0x30];
	[tilespmem:s11+$0xFFFFFFC0] =	vst v14;
	v5 =	vadd.f32 v9, v5;
	v9 =	vmul.f32 $1.000000010e-01, v11  }
0xe9: {  	v11 =	vld [tilespmem:s15+$0xFFFFFFD0];
	[tilespmem:s11+$0xFFFFFFD0] =	vst v3;
	v3 =	vadd.f32 v10, v6;
	v6 =	vmul.f32 $1.000000010e-01, v13  }
0xea: {  	v10 =	vld [tilespmem:s12+$0xFFFFFFD0];
	[tilespmem:s11+$0xFFFFFFE0] =	vst v4;
	v4 =	vadd.f32 v9, v7  }
0xeb: {  	v9 =	vmul.f32 $3.000000120e-01, v17;
	v7 =	vld [tilespmem:s15+$0xFFFFFFE0];
	v13 =	vmul.f32 $1.500000060e-01, v18;
	[tilespmem:s11+$0xFFFFFFF0] =	vst v5;
	v5 =	vadd.f32 v6, v8  }
0xec: {  	v15 =	vmul.f32 $1.500000060e-01, v15;
	v6 =	vld [tilespmem:s12+$0xFFFFFFE0];
	[tilespmem:s11+$0x0] =	vst v3  }
0xed: {  	v8 =	vld [tilespmem:s15+$0xFFFFFFF0];
	v3 =	vadd.f32 v13, v9;
	v9 =	vmul.f32 $1.000000010e-01, v12;
	[tilespmem:s11+$0x10] =	vst v4  }
0xee: {  	v4 =	vmul.f32 $3.000000120e-01, v11;
	v11 =	vld [tilespmem:s12+$0xFFFFFFF0];
	[tilespmem:s11+$0x20] =	vst v5;
	s11 =	smov.u32 s15  }
0xef: {  	v5 =	vmul.f32 $1.500000060e-01, v10;
	v10 =	vld [tilespmem:s15+$0x0];
	v9 =	vadd.f32 v9, v3  }
0xf0: {  	v7 =	vmul.f32 $3.000000120e-01, v7;
	v12 =	vld [tilespmem:s12+$0x0]  }
0xf1: {  	v3 =	vadd.f32 v5, v4;
	v4 =	vmul.f32 $1.500000060e-01, v6;
	v6 =	vld [tilespmem:s15+$0x10];
	[tilespmem:s15+$0x30] =	vst v9  }
0xf2: {  	v5 =	vmul.f32 $3.000000120e-01, v8;
	v8 =	vld [tilespmem:s12+$0x10]  }
0xf3: {  	v4 =	vadd.f32 v4, v7;
	v7 =	vmul.f32 $1.500000060e-01, v11;
	v9 =	vld [tilespmem:s15+$0x20]  }
0xf4: {  	v10 =	vmul.f32 $3.000000120e-01, v10;
	v11 =	vld [tilespmem:s12+$0x20]  }
0xf5: {  	v13 =	vld [tilespmem:s15+$0xFFFFFFC0];
	v5 =	vadd.f32 v7, v5;
	v7 =	vmul.f32 $1.500000060e-01, v12  }
0xf6: {  	v14 =	vld [tilespmem:s13+$0xFFFFFFC0];
	v16 =	vmul.f32 $3.000000120e-01, v6  }
0xf7: {  	v17 =	vld [tilespmem:s13+$0xFFFFFFD0];
	v6 =	vadd.f32 v7, v10;
	v7 =	vmul.f32 $1.500000060e-01, v8  }
.Ltmp1:
0xf8: {  	v12 =	vld [tilespmem:s13+$0xFFFFFFE0];
	v8 =	vmul.f32 $3.000000120e-01, v9;
	(pc) =	sbr.rel @p1 .LBB2_5-.Ltmp1, $4  }
0xf9: {  	v9 =	vld [tilespmem:s13+$0xFFFFFFF0];
	v7 =	vadd.f32 v7, v16;
	v16 =	vmul.f32 $1.500000060e-01, v11  }
0xfa: {  	v13 =	vmul.f32 $3.000000120e-01, v13;
	v10 =	vld [tilespmem:s13+$0x0]  }
0xfb: {  	v14 =	vmul.f32 $1.000000010e-01, v14;
	v11 =	vld [tilespmem:s13+$0x10];
	v8 =	vadd.f32 v16, v8  }
0xfc: {  	s15 =	sadd.s32 $0x100, s15;
	v15 =	vadd.f32 v15, v13;
	v16 =	vmul.f32 $1.000000010e-01, v17;
	v13 =	vld [tilespmem:s13+$0x20]  }
0xfd: {  	_ = 	snop  }
0xfe: {  	v12 =	vmul.f32 $1.000000010e-01, v12;
	v14 =	vadd.f32 v14, v15  }
0xff: {  	v3 =	vadd.f32 v16, v3;
	v9 =	vmul.f32 $1.000000010e-01, v9  }
0x100: {  	v4 =	vadd.f32 v12, v4;
	v10 =	vmul.f32 $1.000000010e-01, v10;
	[tilespmem:s11+$0xFFFFFFC0] =	vst v14  }
0x101: {  	v5 =	vadd.f32 v9, v5;
	v9 =	vmul.f32 $1.000000010e-01, v11;
	[tilespmem:s11+$0xFFFFFFD0] =	vst v3  }
0x102: {  	v3 =	vadd.f32 v10, v6;
	v6 =	vmul.f32 $1.000000010e-01, v13;
	[tilespmem:s11+$0xFFFFFFE0] =	vst v4  }
0x103: {  	v4 =	vadd.f32 v9, v7;
	[tilespmem:s11+$0xFFFFFFF0] =	vst v5  }
0x104: {  	v5 =	vadd.f32 v6, v8;
	[tilespmem:s11+$0x0] =	vst v3  }
0x105: {  	[tilespmem:s11+$0x10] =	vst v4  }
0x106: {  	[tilespmem:s11+$0x20] =	vst v5  }
0x107: {  	v3 =	vld [tilespmem:s1+$0x0]  }
0x108: {  	v4 =	vld [tilespmem:s10+$0x0]  }
0x109: {  	v5 =	vld [tilespmem:s10+$0xFFFFFF90]  }
0x10a: {  	v6 =	vld [tilespmem:s2+$0x0]  }
0x10b: {  	v7 =	vld [tilespmem:s1+$0xFFFFFFA0]  }
0x10c: {  	v8 =	vld [tilespmem:s10+$0xFFFFFFA0]  }
0x10d: {  	v9 =	vld [tilespmem:s1+$0xFFFFFFB0]  }
0x10e: {  	v10 =	vld [tilespmem:s10+$0xFFFFFFB0]  }
0x10f: {  	v11 =	vld [tilespmem:s1+$0xFFFFFFC0]  }
0x110: {  	v12 =	vld [tilespmem:s10+$0xFFFFFFC0]  }
0x111: {  	v13 =	vld [tilespmem:s1+$0xFFFFFFD0]  }
0x112: {  	v14 =	vld [tilespmem:s10+$0xFFFFFFD0]  }
0x113: {  	v15 =	vld [tilespmem:s1+$0xFFFFFFE0]  }
0x114: {  	v16 =	vld [tilespmem:s10+$0xFFFFFFE0];
	v3 =	vmul.f32 $3.000000120e-01, v3  }
0x115: {  	v18 =	vld [tilespmem:s10+$0xFFFFFFF0];
	v4 =	vmul.f32 $1.500000060e-01, v4;
	v17 =	vmul.f32 $1.500000060e-01, v5  }
0x116: {  	v19 =	vld [tilespmem:s1+$0xFFFFFF90];
	v6 =	vmul.f32 $1.000000010e-01, v6;
	v7 =	vmul.f32 $3.000000120e-01, v7  }
0x117: {  	v5 =	vld [tilespmem:s1+$0xFFFFFFF0];
	v13 =	vmul.f32 $3.000000120e-01, v13;
	v3 =	vadd.f32 v4, v3;
	v4 =	vmul.f32 $1.500000060e-01, v8  }
0x118: {  	v20 =	vld [tilespmem:s2+$0xFFFFFF90];
	v8 =	vmul.f32 $3.000000120e-01, v9;
	v9 =	vmul.f32 $1.500000060e-01, v10  }
0x119: {  	v22 =	vld [tilespmem:s2+$0xFFFFFFA0];
	v10 =	vmul.f32 $3.000000120e-01, v11;
	v21 =	vadd.f32 v6, v3;
	v6 =	vmul.f32 $1.500000060e-01, v12  }
0x11a: {  	v3 =	vadd.f32 v4, v7;
	v7 =	vmul.f32 $1.500000060e-01, v14;
	v14 =	vmul.f32 $3.000000120e-01, v15;
	v12 =	vld [tilespmem:s2+$0xFFFFFFB0]  }
0x11b: {  	v4 =	vadd.f32 v9, v8;
	v8 =	vmul.f32 $1.500000060e-01, v16;
	v9 =	vld [tilespmem:s2+$0xFFFFFFC0];
	v16 =	vmul.f32 $1.500000060e-01, v18  }
0x11c: {  	v11 =	vld [tilespmem:s2+$0xFFFFFFD0];
	v18 =	vmul.f32 $3.000000120e-01, v19;
	v15 =	vmul.f32 $3.000000120e-01, v5;
	v5 =	vadd.f32 v6, v10  }
0x11d: {  	v6 =	vadd.f32 v7, v13;
	v7 =	vadd.f32 v8, v14;
	v14 =	vmul.f32 $1.000000010e-01, v20;
	v10 =	vld [tilespmem:s2+$0xFFFFFFE0]  }
0x11e: {  	s12 =	simm.s32 $0x970;
	s11 =	simm.s32 $0x0;
	[tilespmem:s1+$0x0] =	vst v21;
	v13 =	vld [tilespmem:s2+$0xFFFFFFF0];
	v8 =	vadd.f32 v16, v15;
	v15 =	vadd.f32 v17, v18;
	v16 =	vmul.f32 $1.000000010e-01, v22  }
.LBB2_7:
0x11f: {  	v17 =	vld [tilespmem:s12+$0x0];
	v12 =	vmul.f32 $1.000000010e-01, v12;
	s10 =	sadd.s32 $0x100, s10  }
0x120: {  	s11 =	sadd.s32 $0x80, s11;
	v18 =	vld [tilespmem:s10+$0x0];
	v14 =	vadd.f32 v14, v15;
	v3 =	vadd.f32 v16, v3;
	v9 =	vmul.f32 $1.000000010e-01, v9  }
0x121: {  	s2 =	sadd.s32 $0x100, s2;
	p1 =	slt.u32 s11, $0x1F80;
	v15 =	vld [tilespmem:s10+$0xFFFFFF90];
	v4 =	vadd.f32 v12, v4;
	v11 =	vmul.f32 $1.000000010e-01, v11  }
0x122: {  	v12 =	vld [tilespmem:s2+$0x0];
	[tilespmem:s1+$0xFFFFFF90] =	vst v14;
	v5 =	vadd.f32 v9, v5;
	v9 =	vmul.f32 $1.000000010e-01, v10  }
0x123: {  	v10 =	vld [tilespmem:s12+$0xFFFFFFA0];
	[tilespmem:s1+$0xFFFFFFA0] =	vst v3;
	v3 =	vadd.f32 v11, v6;
	v6 =	vmul.f32 $1.000000010e-01, v13  }
0x124: {  	v11 =	vld [tilespmem:s10+$0xFFFFFFA0];
	[tilespmem:s1+$0xFFFFFFB0] =	vst v4;
	v4 =	vadd.f32 v9, v7  }
0x125: {  	v9 =	vmul.f32 $3.000000120e-01, v17;
	v7 =	vld [tilespmem:s12+$0xFFFFFFB0];
	v13 =	vmul.f32 $1.500000060e-01, v18;
	[tilespmem:s1+$0xFFFFFFC0] =	vst v5;
	v5 =	vadd.f32 v6, v8  }
0x126: {  	v15 =	vmul.f32 $1.500000060e-01, v15;
	v6 =	vld [tilespmem:s10+$0xFFFFFFB0];
	[tilespmem:s1+$0xFFFFFFD0] =	vst v3  }
0x127: {  	v8 =	vld [tilespmem:s12+$0xFFFFFFC0];
	v3 =	vadd.f32 v13, v9;
	v9 =	vmul.f32 $1.000000010e-01, v12;
	[tilespmem:s1+$0xFFFFFFE0] =	vst v4  }
0x128: {  	v4 =	vmul.f32 $3.000000120e-01, v10;
	v10 =	vld [tilespmem:s10+$0xFFFFFFC0];
	[tilespmem:s1+$0xFFFFFFF0] =	vst v5;
	s1 =	smov.u32 s12  }
0x129: {  	v5 =	vmul.f32 $1.500000060e-01, v11;
	v11 =	vld [tilespmem:s12+$0xFFFFFFD0];
	v9 =	vadd.f32 v9, v3  }
0x12a: {  	v7 =	vmul.f32 $3.000000120e-01, v7;
	v12 =	vld [tilespmem:s10+$0xFFFFFFD0]  }
0x12b: {  	v3 =	vadd.f32 v5, v4;
	v4 =	vmul.f32 $1.500000060e-01, v6;
	v6 =	vld [tilespmem:s12+$0xFFFFFFE0];
	[tilespmem:s12+$0x0] =	vst v9  }
0x12c: {  	v5 =	vmul.f32 $3.000000120e-01, v8;
	v8 =	vld [tilespmem:s10+$0xFFFFFFE0]  }
0x12d: {  	v4 =	vadd.f32 v4, v7;
	v7 =	vmul.f32 $1.500000060e-01, v10;
	v9 =	vld [tilespmem:s12+$0xFFFFFFF0]  }
0x12e: {  	v10 =	vmul.f32 $3.000000120e-01, v11;
	v11 =	vld [tilespmem:s10+$0xFFFFFFF0]  }
0x12f: {  	v13 =	vld [tilespmem:s12+$0xFFFFFF90];
	v5 =	vadd.f32 v7, v5;
	v7 =	vmul.f32 $1.500000060e-01, v12  }
0x130: {  	v14 =	vld [tilespmem:s2+$0xFFFFFF90];
	v16 =	vmul.f32 $3.000000120e-01, v6  }
0x131: {  	v17 =	vld [tilespmem:s2+$0xFFFFFFA0];
	v6 =	vadd.f32 v7, v10;
	v7 =	vmul.f32 $1.500000060e-01, v8  }
.Ltmp2:
0x132: {  	v12 =	vld [tilespmem:s2+$0xFFFFFFB0];
	v8 =	vmul.f32 $3.000000120e-01, v9;
	(pc) =	sbr.rel @p1 .LBB2_7-.Ltmp2, $4  }
0x133: {  	v9 =	vld [tilespmem:s2+$0xFFFFFFC0];
	v7 =	vadd.f32 v7, v16;
	v16 =	vmul.f32 $1.500000060e-01, v11  }
0x134: {  	v13 =	vmul.f32 $3.000000120e-01, v13;
	v11 =	vld [tilespmem:s2+$0xFFFFFFD0]  }
0x135: {  	v14 =	vmul.f32 $1.000000010e-01, v14;
	v10 =	vld [tilespmem:s2+$0xFFFFFFE0];
	v8 =	vadd.f32 v16, v8  }
0x136: {  	s12 =	sadd.s32 $0x100, s12;
	v15 =	vadd.f32 v15, v13;
	v16 =	vmul.f32 $1.000000010e-01, v17;
	v13 =	vld [tilespmem:s2+$0xFFFFFFF0]  }
0x137: {  	_ = 	snop  }
0x138: {  	v12 =	vmul.f32 $1.000000010e-01, v12;
	v14 =	vadd.f32 v14, v15  }
0x139: {  	v3 =	vadd.f32 v16, v3;
	v9 =	vmul.f32 $1.000000010e-01, v9  }
0x13a: {  	v4 =	vadd.f32 v12, v4;
	v11 =	vmul.f32 $1.000000010e-01, v11;
	[tilespmem:s1+$0xFFFFFF90] =	vst v14  }
0x13b: {  	v5 =	vadd.f32 v9, v5;
	v60 =	vmul.f32 $1.000000010e-01, v10;
	[tilespmem:s1+$0xFFFFFFA0] =	vst v3  }
0x13c: {  	v3 =	vadd.f32 v11, v6;
	[tilespmem:s1+$0xFFFFFFB0] =	vst v4  }
0x13d: {  	v62 =	vadd.f32 v60, v7;
	[tilespmem:s1+$0xFFFFFFC0] =	vst v5  }
0x13e: {  	s2 =	sshll.u32 s24, $0xC;
	p1 =	seq.s32 s24, $0x1F;
	v61 =	vmul.f32 $1.000000010e-01, v13;
	[tilespmem:s1+$0xFFFFFFD0] =	vst v3  }
.Ltmp3:
0x13f: {  	s10 =	sshll.u32 s24, $0x6;
	s14 =	smov.u32 s16;
	[tilespmem:s1+$0xFFFFFFE0] =	vst v62;
	(pc) =	sbr.rel @p1 .LBB2_10-.Ltmp3, $4  }
0x140: {  	s2 =	sand.u32 $0x1E000, s2;
	s10 =	sand.u32 $0x40, s10;
	v63 =	vadd.f32 v61, v8;
	s11 =	rddreg [dreg:$0x10]  }
0x141: {  	s15 =	simm.s32 $0x100;
	s10 =	sadd.s32 s16, s10;
	s2 =	sor.u32 s11, s2  }
0x142: {  	s13 =	simm.s32 $0x780;
	s16 =	simm.s32 $0x400;
	[tilespmem:s1+$0xFFFFFFF0] =	vst v63;
	s12 =	sadd.s32 s2, s10  }
0x143: {  	[hbm4b:s12+s15] =	stream.strided.scatter [tilespmem:s13], [sflag:$0x3], $0x4000, s16, s15, $0x38;
	[tilespmem:$0x18780] =	vst v63  }
0x144: {  	s1 =	sshll.u32 s24, $0x4  }
0x145: {  	v3 =	vld.msk [tilespmem:s1+$0x190], $0x3;
	_ =	sdelay $0x4  }
0x146: {  	v4 =	vshll.u32 v3, $0x6  }
0x147: {  	v3 =	vand.u32 $0x7, v3;
	v4 =	vand.u32 $0xFFFFFE00, v4  }
0x148: {  	v3 =	vor.u32 v3, v4  }
0x149: {  	v3 =	vperm.xlane v3, v1;
	_ =	sdelay $0x1  }
0x14a: {  	v3 =	vadd.s32 v2, v3;
	_ =	sdelay $0x3  }
0x14b: {  	s10 =	rddreg [dreg:$0x1];
	s11 =	simm.s32 $0x780  }
0x14c: {  	[tilespmem:s11], [sflag:$0x1] =	stream.indirect_vreg.gather [hbm4b:s10+s6], $0x80, v3, vm0, $0xb8;
	[tilespmem:$0x18780] =	vst v63  }
0x14d: {  	s12 =	rddreg [dreg:$0x9];
	s13 =	simm.s32 $0xF80  }
0x14e: {  	[tilespmem:s13], [sflag:$0x1] =	stream.indirect_vreg.gather [hbm4b:s12+s6], $0x80, v3, vm0, $0xb8;
	[tilespmem:$0x18780] =	vst v63  }
0x14f: {  	s12 =	rddreg [dreg:$0xa];
	s13 =	simm.s32 $0x1780  }
0x150: {  	[tilespmem:s13], [sflag:$0x1] =	stream.indirect_vreg.gather [hbm4b:s12+s6], $0x80, v3, vm0, $0xb8;
	[tilespmem:$0x18780] =	vst v63  }
0x151: {  	s12 =	rddreg [dreg:$0xb];
	s13 =	simm.s32 $0x1F80  }
0x152: {  	[tilespmem:s13], [sflag:$0x1] =	stream.indirect_vreg.gather [hbm4b:s12+s6], $0x80, v3, vm0, $0xb8;
	[tilespmem:$0x18780] =	vst v63  }
0x153: {  	s12 =	rddreg [dreg:$0xc];
	s13 =	simm.s32 $0x2780  }
0x154: {  	[tilespmem:s13], [sflag:$0x1] =	stream.indirect_vreg.gather [hbm4b:s12+s6], $0x80, v3, vm0, $0xb8;
	[tilespmem:$0x18780] =	vst v63  }
0x155: {  	s12 =	rddreg [dreg:$0xd];
	s13 =	simm.s32 $0x2F80  }
0x156: {  	[tilespmem:s13], [sflag:$0x1] =	stream.indirect_vreg.gather [hbm4b:s12+s6], $0x80, v3, vm0, $0xb8;
	[tilespmem:$0x18780] =	vst v63  }
0x157: {  	s12 =	rddreg [dreg:$0xe];
	s13 =	simm.s32 $0x3780  }
0x158: {  	[tilespmem:s13], [sflag:$0x1] =	stream.indirect_vreg.gather [hbm4b:s12+s6], $0x80, v3, vm0, $0xb8;
	[tilespmem:$0x18780] =	vst v63  }
0x159: {  	s12 =	rddreg [dreg:$0xf];
	s13 =	simm.s32 $0x3F80  }
0x15a: {  	[tilespmem:s13], [sflag:$0x1] =	stream.indirect_vreg.gather [hbm4b:s12+s6], $0x80, v3, vm0, $0xb8;
	[tilespmem:$0x18780] =	vst v63  }
0x15b: {  	v3 =	vld.msk [tilespmem:s1+$0x390], $0x3;
	_ =	sdelay $0x4  }
0x15c: {  	v62 =	vshll.u32 v3, $0x6  }
0x15d: {  	v3 =	vand.u32 $0x7, v3;
	v4 =	vand.u32 $0xFFFFFE00, v62  }
0x15e: {  	v3 =	vor.u32 v3, v4  }
0x15f: {  	v3 =	vperm.xlane v3, v1;
	_ =	sdelay $0x1  }
0x160: {  	v3 =	vadd.s32 v2, v3;
	_ =	sdelay $0x3  }
0x161: {  	s12 =	rddreg [dreg:$0x2];
	s13 =	simm.s32 $0x8780  }
0x162: {  	[tilespmem:s13], [sflag:$0x1] =	stream.indirect_vreg.gather [hbm4b:s12+s6], $0x80, v3, vm0, $0xb8;
	[tilespmem:$0x18780] =	vst v63  }
0x163: {  	s11 =	simm.s32 $0x8F80  }
0x164: {  	[tilespmem:s11], [sflag:$0x1] =	stream.indirect_vreg.gather [hbm4b:s17+s6], $0x80, v3, vm0, $0xb8;
	[tilespmem:$0x18780] =	vst v63  }
0x165: {  	s12 =	simm.s32 $0x9780  }
0x166: {  	[tilespmem:s12], [sflag:$0x1] =	stream.indirect_vreg.gather [hbm4b:s18+s6], $0x80, v3, vm0, $0xb8;
	[tilespmem:$0x18780] =	vst v63  }
0x167: {  	s13 =	simm.s32 $0x9F80  }
0x168: {  	[tilespmem:s13], [sflag:$0x1] =	stream.indirect_vreg.gather [hbm4b:s19+s6], $0x80, v3, vm0, $0xb8;
	[tilespmem:$0x18780] =	vst v63  }
0x169: {  	s11 =	simm.s32 $0xA780  }
0x16a: {  	[tilespmem:s11], [sflag:$0x1] =	stream.indirect_vreg.gather [hbm4b:s20+s6], $0x80, v3, vm0, $0xb8;
	[tilespmem:$0x18780] =	vst v63  }
0x16b: {  	s12 =	simm.s32 $0xAF80  }
0x16c: {  	[tilespmem:s12], [sflag:$0x1] =	stream.indirect_vreg.gather [hbm4b:s21+s6], $0x80, v3, vm0, $0xb8;
	[tilespmem:$0x18780] =	vst v63  }
0x16d: {  	s13 =	simm.s32 $0xB780  }
0x16e: {  	[tilespmem:s13], [sflag:$0x1] =	stream.indirect_vreg.gather [hbm4b:s22+s6], $0x80, v3, vm0, $0xb8;
	[tilespmem:$0x18780] =	vst v63  }
0x16f: {  	s11 =	simm.s32 $0xBF80  }
0x170: {  	[tilespmem:s11], [sflag:$0x1] =	stream.indirect_vreg.gather [hbm4b:s23+s6], $0x80, v3, vm0, $0xb8;
	[tilespmem:$0x18780] =	vst v63  }
0x171: {  	v3 =	vld.msk [tilespmem:s1+$0x590], $0x3;
	_ =	sdelay $0x4  }
0x172: {  	v63 =	vshll.u32 v3, $0x6  }
0x173: {  	v3 =	vand.u32 $0x7, v3;
	v4 =	vand.u32 $0xFFFFFE00, v63  }
0x174: {  	v3 =	vor.u32 v3, v4  }
0x175: {  	v3 =	vperm.xlane v3, v1;
	_ =	sdelay $0x1  }
0x176: {  	v3 =	vadd.s32 v2, v3;
	_ =	sdelay $0x3  }
0x177: {  	s12 =	rddreg [dreg:$0x3];
	s13 =	simm.s32 $0x10780  }
0x178: {  	[tilespmem:s13], [sflag:$0x1] =	stream.indirect_vreg.gather [hbm4b:s12+s6], $0x80, v3, vm0, $0xb8;
	[tilespmem:$0x18780] =	vst v63  }
0x179: {  	s11 =	simm.s32 $0x10F80  }
0x17a: {  	[tilespmem:s11], [sflag:$0x1] =	stream.indirect_vreg.gather [hbm4b:s26+s6], $0x80, v3, vm0, $0xb8;
	[tilespmem:$0x18780] =	vst v63  }
0x17b: {  	s12 =	simm.s32 $0x11780  }
0x17c: {  	[tilespmem:s12], [sflag:$0x1] =	stream.indirect_vreg.gather [hbm4b:s28+s6], $0x80, v3, vm0, $0xb8;
	[tilespmem:$0x18780] =	vst v63  }
0x17d: {  	s13 =	simm.s32 $0x11F80  }
0x17e: {  	[tilespmem:s13], [sflag:$0x1] =	stream.indirect_vreg.gather [hbm4b:s29+s6], $0x80, v3, vm0, $0xb8;
	[tilespmem:$0x18780] =	vst v63  }
0x17f: {  	s10 =	simm.s32 $0x12780  }
0x180: {  	[tilespmem:s10], [sflag:$0x1] =	stream.indirect_vreg.gather [hbm4b:s30+s6], $0x80, v3, vm0, $0xb8;
	[tilespmem:$0x18780] =	vst v63  }
0x181: {  	s11 =	simm.s32 $0x12F80  }
0x182: {  	[tilespmem:s11], [sflag:$0x1] =	stream.indirect_vreg.gather [hbm4b:s31+s6], $0x80, v3, vm0, $0xb8;
	[tilespmem:$0x18780] =	vst v63  }
0x183: {  	s12 =	simm.s32 $0x13780  }
0x184: {  	[tilespmem:s12], [sflag:$0x1] =	stream.indirect_vreg.gather [hbm4b:s3+s6], $0x80, v3, vm0, $0xb8;
	[tilespmem:$0x18780] =	vst v63  }
0x185: {  	s13 =	simm.s32 $0x13F80  }
0x186: {  	[tilespmem:s13], [sflag:$0x1] =	stream.indirect_vreg.gather [hbm4b:s0+s6], $0x80, v3, vm0, $0xb8;
	[tilespmem:$0x18780] =	vst v63  }
.LBB2_10:
0x187: {  	_ =	swait.ge [sflag:s5], $0x4000  }
0x188: {  	[sflag:s5] =	ssyncset.done $0x0  }
0x189: {  	[sflag:s5] =	ssyncadd.s32 $0xFFFFC000  }
0x18a: {  	_ =	swait.ge [sflag:s5], $0x4000  }
0x18b: {  	[sflag:s5] =	ssyncset.done $0x0  }
0x18c: {  	[sflag:s5] =	ssyncadd.s32 $0xFFFFC000  }
0x18d: {  	_ =	swait.ge [sflag:s5], $0x4000  }
0x18e: {  	[sflag:s5] =	ssyncset.done $0x0  }
0x18f: {  	s1 =	simm.s32 @!p0 $0x4;
	[sflag:s5] =	ssyncadd.s32 $0xFFFFC000  }
0x190: {  	_ =	swait.ge @!p0 [sflag:s1], $0x4000  }
0x191: {  	[sflag:s1] =	ssyncset.done @!p0 $0x0  }
0x192: {  	[sflag:s1] =	ssyncadd.s32 @!p0 $0xFFFFC000;
	s1 =	simm.s32 $0x0  }
0x193: {  	v3 =	vld [tilespmem:s1+$0x47F0]  }
0x194: {  	v4 =	vld [tilespmem:s1+$0xC7F0]  }
0x195: {  	v5 =	vld [tilespmem:s1+$0x4780]  }
0x196: {  	v6 =	vld [tilespmem:s1+$0x147F0]  }
0x197: {  	v7 =	vld [tilespmem:s1+$0xC780]  }
0x198: {  	v8 =	vld [tilespmem:s1+$0x4790]  }
0x199: {  	v9 =	vld [tilespmem:s1+$0xC790]  }
0x19a: {  	v10 =	vld [tilespmem:s1+$0x47A0]  }
0x19b: {  	v11 =	vld [tilespmem:s1+$0xC7A0]  }
0x19c: {  	v12 =	vld [tilespmem:s1+$0x47B0]  }
0x19d: {  	v13 =	vld [tilespmem:s1+$0xC7B0]  }
0x19e: {  	v14 =	vld [tilespmem:s1+$0x47C0]  }
0x19f: {  	v15 =	vld [tilespmem:s1+$0xC7C0];
	v3 =	vmul.f32 $3.000000120e-01, v3  }
0x1a0: {  	v16 =	vld [tilespmem:s1+$0x47D0];
	v4 =	vmul.f32 $1.500000060e-01, v4;
	v5 =	vmul.f32 $3.000000120e-01, v5  }
0x1a1: {  	v17 =	vld [tilespmem:s1+$0xC7D0];
	v8 =	vmul.f32 $3.000000120e-01, v8;
	v9 =	vmul.f32 $1.500000060e-01, v9  }
0x1a2: {  	v18 =	vld [tilespmem:s1+$0xC7E0];
	v20 =	vmul.f32 $3.000000120e-01, v10;
	v11 =	vmul.f32 $1.500000060e-01, v11  }
0x1a3: {  	v3 =	vadd.f32 v4, v3;
	v4 =	vmul.f32 $1.000000010e-01, v6;
	v6 =	vmul.f32 $1.500000060e-01, v7;
	v7 =	vld [tilespmem:s1+$0x47E0]  }
0x1a4: {  	v21 =	vld [tilespmem:s1+$0x14780];
	v13 =	vmul.f32 $1.500000060e-01, v13;
	v22 =	vmul.f32 $1.500000060e-01, v15  }
0x1a5: {  	v19 =	vadd.f32 v4, v3;
	v3 =	vadd.f32 v6, v5;
	v6 =	vmul.f32 $3.000000120e-01, v12;
	v12 =	vld [tilespmem:s1+$0x14790]  }
0x1a6: {  	v10 =	vld [tilespmem:s1+$0x147A0];
	v16 =	vmul.f32 $3.000000120e-01, v16;
	v17 =	vmul.f32 $1.500000060e-01, v17  }
0x1a7: {  	v4 =	vadd.f32 v9, v8;
	v8 =	vmul.f32 $3.000000120e-01, v14;
	v5 =	vadd.f32 v11, v20;
	v11 =	vld [tilespmem:s1+$0x147B0]  }
0x1a8: {  	v15 =	vmul.f32 $1.500000060e-01, v18;
	v9 =	vld [tilespmem:s1+$0x147C0];
	v6 =	vadd.f32 v13, v6;
	v14 =	vmul.f32 $3.000000120e-01, v7  }
0x1a9: {  	s11 =	simm.s32 $0x0;
	s12 =	simm.s32 $0x400;
	s10 =	simm.s32 $0x0;
	[tilespmem:s1+$0x47F0] =	vst v19;
	v13 =	vld [tilespmem:s1+$0x147D0];
	v7 =	vadd.f32 v22, v8;
	v8 =	vadd.f32 v17, v16;
	v16 =	vmul.f32 $1.000000010e-01, v21  }
.LBB2_11:
0x1aa: {  	s13 =	sshra.s32 s12, $0x2;
	v12 =	vmul.f32 $1.000000010e-01, v12;
	v14 =	vadd.f32 v15, v14;
	v15 =	vld [tilespmem:s10+$0x147E0]  }
0x1ab: {  	s11 =	sadd.s32 $0x80, s11;
	v17 =	vld [tilespmem:s13+$0x47F0];
	v3 =	vadd.f32 v16, v3;
	v10 =	vmul.f32 $1.000000010e-01, v10  }
0x1ac: {  	p0 =	slt.u32 s11, $0x1F80;
	v16 =	vld [tilespmem:s13+$0xC7F0];
	v4 =	vadd.f32 v12, v4;
	v11 =	vmul.f32 $1.000000010e-01, v11  }
0x1ad: {  	v12 =	vld [tilespmem:s13+$0x4780];
	[tilespmem:s10+$0x4780] =	vst v3;
	v3 =	vadd.f32 v10, v5;
	v5 =	vmul.f32 $1.000000010e-01, v9  }
0x1ae: {  	v9 =	vld [tilespmem:s13+$0x147F0];
	[tilespmem:s10+$0x4790] =	vst v4;
	v4 =	vadd.f32 v11, v6;
	v6 =	vmul.f32 $1.000000010e-01, v13  }
0x1af: {  	v10 =	vld [tilespmem:s13+$0xC780];
	[tilespmem:s10+$0x47A0] =	vst v3;
	v3 =	vadd.f32 v5, v7;
	v5 =	vmul.f32 $1.000000010e-01, v15  }
0x1b0: {  	v7 =	vld [tilespmem:s13+$0x4790];
	[tilespmem:s10+$0x47B0] =	vst v4;
	v4 =	vadd.f32 v6, v8  }
0x1b1: {  	v8 =	vmul.f32 $3.000000120e-01, v17;
	v6 =	vld [tilespmem:s13+$0xC790];
	v11 =	vmul.f32 $1.500000060e-01, v16;
	[tilespmem:s10+$0x47C0] =	vst v3;
	v3 =	vadd.f32 v5, v14  }
0x1b2: {  	v5 =	vmul.f32 $3.000000120e-01, v12;
	v12 =	vld [tilespmem:s13+$0x47A0];
	[tilespmem:s10+$0x47D0] =	vst v4  }
0x1b3: {  	v13 =	vld [tilespmem:s13+$0xC7A0];
	v4 =	vadd.f32 v11, v8;
	v8 =	vmul.f32 $1.000000010e-01, v9;
	[tilespmem:s10+$0x47E0] =	vst v3;
	s10 =	smov.u32 s13  }
0x1b4: {  	v3 =	vmul.f32 $1.500000060e-01, v10;
	v9 =	vld [tilespmem:s10+$0x47B0]  }
0x1b5: {  	v7 =	vmul.f32 $3.000000120e-01, v7;
	v10 =	vld [tilespmem:s10+$0xC7B0];
	v4 =	vadd.f32 v8, v4  }
0x1b6: {  	v3 =	vadd.f32 v3, v5;
	v5 =	vmul.f32 $1.500000060e-01, v6;
	v6 =	vld [tilespmem:s10+$0x47C0]  }
0x1b7: {  	v8 =	vmul.f32 $3.000000120e-01, v12;
	v11 =	vld [tilespmem:s10+$0xC7C0];
	[tilespmem:s10+$0x47F0] =	vst v4  }
0x1b8: {  	v4 =	vadd.f32 v5, v7;
	v5 =	vmul.f32 $1.500000060e-01, v13;
	v7 =	vld [tilespmem:s10+$0x47D0]  }
0x1b9: {  	v9 =	vmul.f32 $3.000000120e-01, v9;
	v13 =	vld [tilespmem:s10+$0xC7D0]  }
0x1ba: {  	v5 =	vadd.f32 v5, v8;
	v8 =	vmul.f32 $1.500000060e-01, v10;
	v14 =	vld [tilespmem:s10+$0x47E0]  }
0x1bb: {  	v15 =	vmul.f32 $3.000000120e-01, v6;
	v16 =	vld [tilespmem:s10+$0xC7E0]  }
0x1bc: {  	v17 =	vld [tilespmem:s10+$0x14780];
	v6 =	vadd.f32 v8, v9;
	v8 =	vmul.f32 $1.500000060e-01, v11  }
.Ltmp4:
0x1bd: {  	v12 =	vld [tilespmem:s10+$0x14790];
	v18 =	vmul.f32 $3.000000120e-01, v7;
	(pc) =	sbr.rel @p0 .LBB2_11-.Ltmp4, $4  }
0x1be: {  	v10 =	vld [tilespmem:s10+$0x147A0];
	v7 =	vadd.f32 v8, v15;
	v8 =	vmul.f32 $1.500000060e-01, v13  }
0x1bf: {  	v11 =	vld [tilespmem:s10+$0x147B0];
	v14 =	vmul.f32 $3.000000120e-01, v14  }
0x1c0: {  	v9 =	vld [tilespmem:s10+$0x147C0];
	v8 =	vadd.f32 v8, v18;
	v15 =	vmul.f32 $1.500000060e-01, v16  }
0x1c1: {  	s12 =	sadd.s32 $0x400, s12;
	v16 =	vmul.f32 $1.000000010e-01, v17;
	v13 =	vld [tilespmem:s10+$0x147D0]  }
0x1c2: {  	v12 =	vmul.f32 $1.000000010e-01, v12;
	v17 =	vld [tilespmem:s10+$0x147E0]  }
0x1c3: {  	v3 =	vadd.f32 v16, v3;
	v10 =	vmul.f32 $1.000000010e-01, v10  }
0x1c4: {  	v4 =	vadd.f32 v12, v4;
	v11 =	vmul.f32 $1.000000010e-01, v11  }
0x1c5: {  	[tilespmem:s10+$0x4780] =	vst v3;
	v3 =	vadd.f32 v10, v5;
	v5 =	vmul.f32 $1.000000010e-01, v9  }
0x1c6: {  	[tilespmem:s10+$0x4790] =	vst v4;
	v4 =	vadd.f32 v11, v6;
	v6 =	vmul.f32 $1.000000010e-01, v13  }
0x1c7: {  	v9 =	vadd.f32 v15, v14;
	[tilespmem:s10+$0x47A0] =	vst v3;
	v3 =	vadd.f32 v5, v7;
	v5 =	vmul.f32 $1.000000010e-01, v17  }
0x1c8: {  	[tilespmem:s10+$0x47B0] =	vst v4;
	v4 =	vadd.f32 v6, v8  }
0x1c9: {  	[tilespmem:s10+$0x47C0] =	vst v3;
	v3 =	vadd.f32 v5, v9  }
0x1ca: {  	[tilespmem:s10+$0x47D0] =	vst v4  }
0x1cb: {  	[tilespmem:s10+$0x47E0] =	vst v3  }
0x1cc: {  	v3 =	vld [tilespmem:s1+$0x4870]  }
0x1cd: {  	v4 =	vld [tilespmem:s1+$0xC870]  }
0x1ce: {  	v5 =	vld [tilespmem:s1+$0x4800]  }
0x1cf: {  	v6 =	vld [tilespmem:s1+$0x14870]  }
0x1d0: {  	v7 =	vld [tilespmem:s1+$0xC800]  }
0x1d1: {  	v8 =	vld [tilespmem:s1+$0x4810]  }
0x1d2: {  	v9 =	vld [tilespmem:s1+$0xC810]  }
0x1d3: {  	v10 =	vld [tilespmem:s1+$0x4820]  }
0x1d4: {  	v11 =	vld [tilespmem:s1+$0xC820]  }
0x1d5: {  	v12 =	vld [tilespmem:s1+$0x4830]  }
0x1d6: {  	v13 =	vld [tilespmem:s1+$0xC830]  }
0x1d7: {  	v14 =	vld [tilespmem:s1+$0x4840]  }
0x1d8: {  	v15 =	vld [tilespmem:s1+$0xC840];
	v3 =	vmul.f32 $3.000000120e-01, v3  }
0x1d9: {  	v16 =	vld [tilespmem:s1+$0x4850];
	v4 =	vmul.f32 $1.500000060e-01, v4;
	v5 =	vmul.f32 $3.000000120e-01, v5  }
0x1da: {  	v17 =	vld [tilespmem:s1+$0xC850];
	v8 =	vmul.f32 $3.000000120e-01, v8;
	v9 =	vmul.f32 $1.500000060e-01, v9  }
0x1db: {  	v18 =	vld [tilespmem:s1+$0xC860];
	v20 =	vmul.f32 $3.000000120e-01, v10;
	v11 =	vmul.f32 $1.500000060e-01, v11  }
0x1dc: {  	v3 =	vadd.f32 v4, v3;
	v4 =	vmul.f32 $1.000000010e-01, v6;
	v6 =	vmul.f32 $1.500000060e-01, v7;
	v7 =	vld [tilespmem:s1+$0x4860]  }
0x1dd: {  	v21 =	vld [tilespmem:s1+$0x14800];
	v13 =	vmul.f32 $1.500000060e-01, v13;
	v22 =	vmul.f32 $1.500000060e-01, v15  }
0x1de: {  	v19 =	vadd.f32 v4, v3;
	v3 =	vadd.f32 v6, v5;
	v6 =	vmul.f32 $3.000000120e-01, v12;
	v12 =	vld [tilespmem:s1+$0x14810]  }
0x1df: {  	v10 =	vld [tilespmem:s1+$0x14820];
	v16 =	vmul.f32 $3.000000120e-01, v16;
	v17 =	vmul.f32 $1.500000060e-01, v17  }
0x1e0: {  	v4 =	vadd.f32 v9, v8;
	v8 =	vmul.f32 $3.000000120e-01, v14;
	v5 =	vadd.f32 v11, v20;
	v11 =	vld [tilespmem:s1+$0x14830]  }
0x1e1: {  	v15 =	vmul.f32 $1.500000060e-01, v18;
	v9 =	vld [tilespmem:s1+$0x14840];
	v6 =	vadd.f32 v13, v6;
	v14 =	vmul.f32 $3.000000120e-01, v7  }
0x1e2: {  	s11 =	simm.s32 $0x400;
	s10 =	simm.s32 $0x0;
	[tilespmem:s1+$0x4870] =	vst v19;
	v13 =	vld [tilespmem:s1+$0x14850];
	v7 =	vadd.f32 v22, v8;
	v8 =	vadd.f32 v17, v16;
	v16 =	vmul.f32 $1.000000010e-01, v21  }
.LBB2_13:
0x1e3: {  	s12 =	sshra.s32 s11, $0x2;
	v12 =	vmul.f32 $1.000000010e-01, v12;
	v14 =	vadd.f32 v15, v14;
	v15 =	vld [tilespmem:s1+$0x14860]  }
0x1e4: {  	s10 =	sadd.s32 $0x80, s10;
	v17 =	vld [tilespmem:s12+$0x4870];
	v3 =	vadd.f32 v16, v3;
	v10 =	vmul.f32 $1.000000010e-01, v10  }
0x1e5: {  	p0 =	slt.u32 s10, $0x1F80;
	v16 =	vld [tilespmem:s12+$0xC870];
	v4 =	vadd.f32 v12, v4;
	v11 =	vmul.f32 $1.000000010e-01, v11  }
0x1e6: {  	v12 =	vld [tilespmem:s12+$0x4800];
	[tilespmem:s1+$0x4800] =	vst v3;
	v3 =	vadd.f32 v10, v5;
	v5 =	vmul.f32 $1.000000010e-01, v9  }
0x1e7: {  	v9 =	vld [tilespmem:s12+$0x14870];
	[tilespmem:s1+$0x4810] =	vst v4;
	v4 =	vadd.f32 v11, v6;
	v6 =	vmul.f32 $1.000000010e-01, v13  }
0x1e8: {  	v10 =	vld [tilespmem:s12+$0xC800];
	[tilespmem:s1+$0x4820] =	vst v3;
	v3 =	vadd.f32 v5, v7;
	v5 =	vmul.f32 $1.000000010e-01, v15  }
0x1e9: {  	v7 =	vld [tilespmem:s12+$0x4810];
	[tilespmem:s1+$0x4830] =	vst v4;
	v4 =	vadd.f32 v6, v8  }
0x1ea: {  	v8 =	vmul.f32 $3.000000120e-01, v17;
	v6 =	vld [tilespmem:s12+$0xC810];
	v11 =	vmul.f32 $1.500000060e-01, v16;
	[tilespmem:s1+$0x4840] =	vst v3;
	v3 =	vadd.f32 v5, v14  }
0x1eb: {  	v5 =	vmul.f32 $3.000000120e-01, v12;
	v12 =	vld [tilespmem:s12+$0x4820];
	[tilespmem:s1+$0x4850] =	vst v4  }
0x1ec: {  	v13 =	vld [tilespmem:s12+$0xC820];
	v4 =	vadd.f32 v11, v8;
	v8 =	vmul.f32 $1.000000010e-01, v9;
	[tilespmem:s1+$0x4860] =	vst v3;
	s1 =	smov.u32 s12  }
0x1ed: {  	v3 =	vmul.f32 $1.500000060e-01, v10;
	v9 =	vld [tilespmem:s1+$0x4830]  }
0x1ee: {  	v7 =	vmul.f32 $3.000000120e-01, v7;
	v10 =	vld [tilespmem:s1+$0xC830];
	v4 =	vadd.f32 v8, v4  }
0x1ef: {  	v3 =	vadd.f32 v3, v5;
	v5 =	vmul.f32 $1.500000060e-01, v6;
	v6 =	vld [tilespmem:s1+$0x4840]  }
0x1f0: {  	v8 =	vmul.f32 $3.000000120e-01, v12;
	v11 =	vld [tilespmem:s1+$0xC840];
	[tilespmem:s1+$0x4870] =	vst v4  }
0x1f1: {  	v4 =	vadd.f32 v5, v7;
	v5 =	vmul.f32 $1.500000060e-01, v13;
	v7 =	vld [tilespmem:s1+$0x4850]  }
0x1f2: {  	v9 =	vmul.f32 $3.000000120e-01, v9;
	v13 =	vld [tilespmem:s1+$0xC850]  }
0x1f3: {  	v5 =	vadd.f32 v5, v8;
	v8 =	vmul.f32 $1.500000060e-01, v10;
	v14 =	vld [tilespmem:s1+$0x4860]  }
0x1f4: {  	v15 =	vmul.f32 $3.000000120e-01, v6;
	v16 =	vld [tilespmem:s1+$0xC860]  }
0x1f5: {  	v17 =	vld [tilespmem:s1+$0x14800];
	v6 =	vadd.f32 v8, v9;
	v8 =	vmul.f32 $1.500000060e-01, v11  }
.Ltmp5:
0x1f6: {  	v12 =	vld [tilespmem:s1+$0x14810];
	v18 =	vmul.f32 $3.000000120e-01, v7;
	(pc) =	sbr.rel @p0 .LBB2_13-.Ltmp5, $4  }
0x1f7: {  	v10 =	vld [tilespmem:s1+$0x14820];
	v7 =	vadd.f32 v8, v15;
	v8 =	vmul.f32 $1.500000060e-01, v13  }
0x1f8: {  	v11 =	vld [tilespmem:s1+$0x14830];
	v14 =	vmul.f32 $3.000000120e-01, v14  }
0x1f9: {  	v9 =	vld [tilespmem:s1+$0x14840];
	v8 =	vadd.f32 v8, v18;
	v15 =	vmul.f32 $1.500000060e-01, v16  }
0x1fa: {  	s11 =	sadd.s32 $0x400, s11;
	v16 =	vmul.f32 $1.000000010e-01, v17;
	v13 =	vld [tilespmem:s1+$0x14850]  }
0x1fb: {  	v12 =	vmul.f32 $1.000000010e-01, v12;
	v17 =	vld [tilespmem:s1+$0x14860]  }
0x1fc: {  	v3 =	vadd.f32 v16, v3;
	v10 =	vmul.f32 $1.000000010e-01, v10  }
0x1fd: {  	v4 =	vadd.f32 v12, v4;
	v11 =	vmul.f32 $1.000000010e-01, v11  }
0x1fe: {  	[tilespmem:s1+$0x4800] =	vst v3;
	v3 =	vadd.f32 v10, v5;
	v58 =	vmul.f32 $1.000000010e-01, v9  }
0x1ff: {  	s24 =	sadd.s32 $0x1, s24;
	[tilespmem:s1+$0x4810] =	vst v4;
	v59 =	vadd.f32 v11, v6;
	v60 =	vmul.f32 $1.000000010e-01, v13  }
0x200: {  	v61 =	vadd.f32 v15, v14;
	p0 =	sne.s32 s24, $0x20;
	[tilespmem:s1+$0x4820] =	vst v3;
	v3 =	vadd.f32 v58, v7;
	v62 =	vmul.f32 $1.000000010e-01, v17  }
.Ltmp6:
0x201: {  	[tilespmem:s1+$0x4830] =	vst v59;
	v63 =	vadd.f32 v60, v8;
	(pc) =	sbr.rel @p0 .LBB2_4-.Ltmp6, $4  }
0x202: {  	s8 =	sshll.u32 s8, $0x5;
	[tilespmem:s1+$0x4840] =	vst v3;
	v3 =	vadd.f32 v62, v61  }
0x203: {  	s2 =	sadd.s32 s14, s2;
	s8 =	sand.u32 $0x60, s8;
	[tilespmem:s1+$0x4850] =	vst v63  }
0x204: {  	s10 =	simm.s32 $0x4780;
	s13 =	sadd.s32 s8, s2;
	[tilespmem:s1+$0x4860] =	vst v3  }
0x205: {  	[hbm4b:s13+s15] =	stream.strided.scatter [tilespmem:s10], [sflag:$0x4], $0x4000, s16, s15, $0x38;
	[tilespmem:$0x18780] =	vst v63  }
0x206: {  	s1 =	simm.s32 $0x3  }
0x207: {  	_ =	swait.ge [sflag:s1], $0x4000  }
0x208: {  	[sflag:s1] =	ssyncset.done $0x0  }
0x209: {  	s2 =	simm.s32 $0x4;
	[sflag:s1] =	ssyncadd.s32 $0xFFFFC000  }
0x20a: {  	_ =	swait.ge [sflag:s2], $0x4000  }
0x20b: {  	s8 =	rddreg [dreg:$0x12]  }
0x20c: {  	s24 =	rddreg [dreg:$0x11];
	s8 =	sadd.s32 $0x1, s8  }
0x20d: {  	p0 =	sne.s32 s8, s24  }
.Ltmp7:
0x20e: {  	_ = 	snop;
	(pc) =	sbr.rel @p0 .LBB2_1-.Ltmp7, $3  }
0x20f: {  	_ =	sdelay $0x1  }
0x210: {  	[sflag:s2] =	ssyncset.done $0x0  }
0x211: {  	[sflag:s2] =	ssyncadd.s32 $0xFFFFC000  }
0x212: {  	_ =	sfence.sel $0x180000  }
0x213: {  	[bflag:$0x0] =	sbarrier.arrive $0xFFFF  }
0x214: {  	_ =	strace $0x90000047  }
0x215: {  	s0 =	stileid.u32;
	[bflag:$0x2] =	sbarrier.arrive $0xFFFF  }
0x216: {  	p0 =	sne.s32 s0, $0x0;
	s0 =	rddreg [dreg:$0x5]  }
0x217: {  	s0 =	sadd.s32 @!p0 $0x100000, s0  }
0x218: {  	[sflag:s0] =	ssyncadd.tile.s32 @!p0 $0x1;
	_ =	shalt  }
.Lfunc_end2:
_tile_overlayer_lowered:
.L_overlay_start_2:
0x219: {  	(tag) =	ssettag $0x2  }
0x21a: {  	s0 =	rddreg [dreg:$0x0];
	s2 =	stileid.u32  }
0x21b: {  	s1 =	rddreg [dreg:$0x1];
	p0 =	sne.s32 s2, $0x0  }
0x21c: {  	s3 =	rddreg [dreg:$0x2];
	[bflag:$0x3] =	sbarrier.arrive $0xFFFF;
	s2 =	simm.s32 @!p0 $0x1C05  }
0x21d: {  	[timem:s3], [sflag:s2] =	dma.local @!p0 [hbm:s0], s1  }
0x21e: {  	s0 =	simm.s32 @!p0 $0x5  }
0x21f: {  	_ =	swait.ge @!p0 [sflag:s0], s1  }
0x220: {  	s1 =	ssub.s32 @!p0 $0x0, s1;
	[sflag:s0] =	ssyncset.done @!p0 $0x0  }
0x221: {  	[sflag:s0] =	ssyncadd.s32 @!p0 s1  }
0x222: {  	[bflag:$0x3] =	sbarrier.arrive $0xFFFF  }
0x223: {  	_ =	shalt  }

</sc_bundles>
